<compile_context>
chip_gen: v7x
topology: tpu7x:2x2x1
jax: 0.10.2.dev20260603
libtpu: 0.0.44.dev20260713+nightly
codegen_flags: <defaults>
</compile_context>

<pallas_src>
import functools
import jax
import jax.numpy as jnp
from jax import lax
from jax.experimental import pallas as pl
from jax.experimental.pallas import tpu as pltpu
from jax.experimental.pallas import tpu_sc as plsc

_W = 64
_H = 64
_B = 8
_J = 17
_BJ = _B * _J
_P = _W * _H
_NX = 8
_NSC = 4
_SCW = _P // _NSC

_NC = 2
_NS = 16
_NWORK = _NC * _NS
_UNITS = 2 * _W * _NSC
_UPW = _UNITS // _NWORK


def _sc_body(abc_hbm, c_hbm, abc_v, cloc_v, sem):
    wid = lax.axis_index("s") * _NC + lax.axis_index("c")
    ones = jnp.ones((16,), jnp.float32)
    zrow = jnp.zeros((16,), jnp.float32)
    lane = lax.broadcasted_iota(jnp.int32, (16,), 0)

    def unit(j, carry):
        u = wid * _UPW + j
        f = u // (_W * _NSC)
        rem = u % (_W * _NSC)
        xx = rem // _NSC
        sc = rem % _NSC
        xf = xx.astype(jnp.float32)

        pltpu.sync_copy(abc_hbm.at[f, sc], abc_v)

        def zrow_loop(r, carry2):
            for g in range(16):
                cloc_v[pl.ds(r * 256 + g * 16, 16)] = zrow
            return carry2
        lax.fori_loop(0, _H * _SCW // 256, zrow_loop, 0)

        def grp(g, carry2):
            col = g * 16 + lane
            for b in range(_B):
                a = abc_v[0, b, pl.ds(g * 16, 16)]
                bb = abc_v[1, b, pl.ds(g * 16, 16)]
                cc = abc_v[2, b, pl.ds(g * 16, 16)]
                yv = -(a * xf + cc) / bb
                valid = (yv >= 1.0) & (yv < 63.0)
                kc = jnp.where(valid, yv, 1.0).astype(jnp.int32)
                plsc.addupdate_scatter(cloc_v, [kc * _SCW + col], ones, mask=valid)
            return carry2
        lax.fori_loop(0, _SCW // 16, grp, 0)

        pltpu.sync_copy(cloc_v, c_hbm.at[f, xx, sc])
        return carry
    lax.fori_loop(0, _UPW, unit, 0)


def _build_counts(abc_sc):
    mesh = plsc.VectorSubcoreMesh(core_axis_name="c", subcore_axis_name="s")
    k = functools.partial(
        pl.kernel,
        out_type=jax.ShapeDtypeStruct((2, _W, _NSC, _H * _SCW), jnp.float32),
        mesh=mesh,
        scratch_types=[
            pltpu.VMEM((3, _B, _SCW), jnp.float32),
            pltpu.VMEM((_H * _SCW,), jnp.float32),
            pltpu.SemaphoreType.DMA,
        ],
        compiler_params=pltpu.CompilerParams(needs_layout_passes=False),
    )(_sc_body)
    return k(abc_sc)


def _tc_body(c_ref, xpad_ref, wt_ref, out_ref, hi_ref, lo_ref):
    xq = pl.program_id(1)

    @pl.when(xq == 0)
    def _():
        acc = jnp.zeros((_W, _H, _BJ), jnp.float32)
        for dy in range(3):
            for dx in range(3):
                w = wt_ref[0, dy, dx, :]
                acc += xpad_ref[dx:dx + _W, dy:dy + _H, :] * w[None, None, :]
        hi = acc.astype(jnp.bfloat16)
        hi_ref[...] = hi
        lo_ref[...] = (acc - hi.astype(jnp.float32)).astype(jnp.bfloat16)

    conv_hi = hi_ref[...].reshape(_P, _BJ)
    conv_lo = lo_ref[...].reshape(_P, _BJ)
    dn = (((1,), (0,)), ((), ()))
    zero_x = jnp.zeros((_NX * _H, _BJ), jnp.float32)
    for sc in range(_NSC):
        acc_sc = c_ref[0, :, sc, :].reshape(_NX * _H, _SCW).astype(jnp.bfloat16)
        chi = conv_hi[sc * _SCW:(sc + 1) * _SCW, :]
        clo = conv_lo[sc * _SCW:(sc + 1) * _SCW, :]
        zero_x = (zero_x
                  + lax.dot_general(acc_sc, chi, dn, preferred_element_type=jnp.float32)
                  + lax.dot_general(acc_sc, clo, dn, preferred_element_type=jnp.float32))
    m = 1.0 / (1.0 + jnp.exp(-zero_x))
    xrows = xpad_ref[pl.ds(xq * _NX + 1, _NX), 1:1 + _H, :]
    out_ref[0] = (xrows + m.reshape(_NX, _H, _BJ)) * 0.5


def kernel(x, y, F1, F2, W1, W2):
    del y
    x_t = jnp.transpose(x, (3, 2, 0, 1)).reshape(_W, _H, _BJ)
    x_pad = jnp.pad(x_t, ((1, 1), (1, 1), (0, 0)))

    def tile_w(Wf):
        return jnp.tile(jnp.transpose(Wf[:, 0], (1, 2, 0)), (1, 1, _B))
    wt = jnp.stack([tile_w(W2), tile_w(W1)])

    xs_p = jnp.repeat(jnp.arange(_W), _H)
    ys_p = jnp.tile(jnp.arange(_H), _W)
    px = jnp.stack([xs_p, ys_p, jnp.ones(_P, jnp.int32)], axis=1).astype(jnp.float32)
    abc = jnp.einsum('pk,bkm->bpm', px, jnp.stack([F1, F2]).reshape(2 * _B, 3, 3))
    abc = abc.reshape(2, _B, _P, 3)
    abc_sc = jnp.transpose(abc, (0, 3, 1, 2)).reshape(2, 3, _B, _NSC, _SCW)
    abc_sc = jnp.transpose(abc_sc, (0, 3, 1, 2, 4))

    counts = _build_counts(abc_sc)

    out = pl.pallas_call(
        _tc_body,
        grid=(2, _W // _NX),
        in_specs=[
            pl.BlockSpec((1, _NX, _NSC, _H * _SCW), lambda f, xq: (f, xq, 0, 0)),
            pl.BlockSpec((_W + 2, _H + 2, _BJ), lambda f, xq: (0, 0, 0)),
            pl.BlockSpec((1, 3, 3, _BJ), lambda f, xq: (f, 0, 0, 0)),
        ],
        out_specs=pl.BlockSpec((1, _NX, _H, _BJ), lambda f, xq: (f, xq, 0, 0)),
        out_shape=jax.ShapeDtypeStruct((2, _W, _H, _BJ), jnp.float32),
        scratch_shapes=[pltpu.VMEM((_W, _H, _BJ), jnp.bfloat16),
                        pltpu.VMEM((_W, _H, _BJ), jnp.bfloat16)],
    )(counts, x_pad, wt)

    def untile(o):
        return jnp.transpose(o.reshape(_W, _H, _B, _J), (2, 3, 1, 0))

    return (untile(out[0]), untile(out[1]), x, x)

# --- scband reference (transcript-rebuilt; emitter-appended) ---
"""Pipeline reference for scband-module-40389872451891 (READ-ONLY COPY).

The authoritative reference and input builder live on the scoring server;
editing this copy changes nothing except your own understanding.
"""

import jax, jax.numpy as jnp
import numpy as np

HEATMAP_SIZE = (64, 64)  # (x, y)
NUM_JOINT = 17


def depthwise_conv(x, w):
    # nn.Conv2d(17,17,3,1,1,groups=17,bias=False)
    return jax.lax.conv_general_dilated(
        x, w, window_strides=(1, 1), padding=((1, 1), (1, 1)),
        dimension_numbers=('NCHW', 'OIHW', 'NCHW'),
        feature_group_count=x.shape[1])


def make_a_b_c(heatmap_size, matrix):
    # pixel = [[i, j, 1] for i in range(W) for j in range(H)]; batch matmul with F
    W, H = heatmap_size
    xs = jnp.repeat(jnp.arange(W), H)
    ys = jnp.tile(jnp.arange(H), W)
    px = jnp.stack([xs, ys, jnp.ones(W * H, jnp.int32)], axis=1).astype(jnp.float32)  # [W*H, 3]
    return jnp.einsum('pk,bkm->bpm', px, matrix)  # [B, W*H, 3]


def a_b_c_pixel(abc, heatmap_size, conv_heatmap, num_joint):
    # Faithful vectorization of the original triple loop:
    #   zero[n1, k, b', j] += conv_t[x_p, y_p, b', j] for every (n, n1, b) with k = int(y(n, n1, b)) and 0 < k < 63
    Wd, Hd = heatmap_size
    B = abc.shape[0]
    P = Wd * Hd
    abcT = jnp.transpose(abc, (2, 1, 0))  # np.transpose default reverses axes -> [3, P, B]
    a, b, c = abcT[0], abcT[1], abcT[2]   # each [P, B]
    xs = jnp.arange(Wd, dtype=jnp.float32)
    yv = -(a[None, :, :] * xs[:, None, None] + c[None, :, :]) / b[None, :, :]  # [Wd, P, B]
    yv = jnp.nan_to_num(yv, nan=0.0, posinf=1e6, neginf=-1e6)
    k = jnp.clip(yv, -1e6, 1e6).astype(jnp.int32)  # int truncation like np int16 cast (see notes)
    k = jnp.transpose(k, (1, 0, 2))  # i_box: [P, Wd, B]
    # conv_heatmap [B, J, Y, X] -> transposes (1,3),(0,2),(0,1) -> [X, Y, B, J]
    conv_t = jnp.transpose(conv_heatmap, (3, 2, 0, 1))
    conv_flat = conv_t.reshape(P, B * num_joint)  # row n corresponds to (x_p=n//Hd, y_p=n%Hd)
    valid = (k > 0) & (k < 63)
    tgt = jnp.where(valid, jnp.arange(Wd)[None, :, None] * Hd + k, P)  # [P, Wd, B], dump row = P
    src = jnp.broadcast_to(jnp.arange(P)[:, None, None], tgt.shape)
    C = jnp.zeros((P + 1, P), jnp.float32).at[tgt.reshape(-1), src.reshape(-1)].add(1.0)
    zero_flat = C[:P] @ conv_flat  # [P, B*J]
    zero_t = zero_flat.reshape(Wd, Hd, B, num_joint)  # [X, Y, B, J]
    # inverse transposes (0,2),(1,3),(2,3) -> [B, J, Y, X]
    return jnp.transpose(zero_t, (2, 3, 1, 0))


def setup_inputs(seed: int = 0) -> dict:
    key = jax.random.key(seed)
    k1, k2, k3, k4, k5, k6 = jax.random.split(key, 6)
    B = 8
    x = jax.random.uniform(k1, (B, NUM_JOINT, 64, 64), dtype=jnp.float32)
    y = jax.random.uniform(k2, (B, NUM_JOINT, 64, 64), dtype=jnp.float32)
    F1 = jax.random.normal(k3, (B, 3, 3), dtype=jnp.float32)
    F2 = jax.random.normal(k4, (B, 3, 3), dtype=jnp.float32)
    W1 = jax.random.uniform(k5, (NUM_JOINT, 1, 3, 3), dtype=jnp.float32) * 0.1
    W2 = jax.random.uniform(k6, (NUM_JOINT, 1, 3, 3), dtype=jnp.float32) * 0.1
    return {"x": x, "y": y, "F1": F1, "F2": F2, "W1": W1, "W2": W2}


def reference(x, y, F1, F2, W1, W2):
    # model1/model2 treated as identity backbones (heatmaps supplied directly);
    # cv2.findFundamentalMat replaced by externally supplied F1/F2 (non-differentiable, detached in original too)
    x1 = x
    x2 = y
    x2 = x1  # faithful to original bug: x2 = x1.cuda()
    conv_x1 = depthwise_conv(x1, W1)
    conv_x2 = depthwise_conv(x2, W2)
    abc1 = make_a_b_c(HEATMAP_SIZE, F1)
    abc2 = make_a_b_c(HEATMAP_SIZE, F2)
    m1 = jax.nn.sigmoid(a_b_c_pixel(abc1, HEATMAP_SIZE, conv_x2, NUM_JOINT))
    m2 = jax.nn.sigmoid(a_b_c_pixel(abc2, HEATMAP_SIZE, conv_x1, NUM_JOINT))
    x_out1 = (x1 + m1) / 2
    x_out2 = (x2 + m2) / 2
    return (x_out1, x_out2, x1, x2)

if __name__ == "__main__":
    import jax
    _d = setup_inputs()
    print(jax.jit(kernel)(*tuple(_d.values())))

</pallas_src>

<mosaic_0001>
#map = affine_map<(d0, d1) -> (0, 0, 0, 0, 0)>
#map1 = affine_map<(d0, d1) -> (0, 0, 0, 0)>
module attributes {stable_mosaic.version = 14 : i64} {
  func.func @_sc_body(%arg0: i32, %arg1: i32, %arg2: memref<2x4x3x8x1024xf32, #tpu.memory_space<hbm>>, %arg3: memref<2x64x4x65536xf32, #tpu.memory_space<hbm>>, %arg4: memref<3x8x1024xf32, #tpu.memory_space<vmem>>, %arg5: memref<65536xf32, #tpu.memory_space<vmem>>, %arg6: memref<!tpu.dma_semaphore, #tpu.memory_space<semaphore_mem>>) attributes {dimension_semantics = [#tpu.dimension_semantics<core_parallel>, #tpu.dimension_semantics<subcore_parallel>], iteration_bounds = array<i64: 2, 16>, scalar_prefetch = 0 : i64, scratch_operands = 3 : i64, tpu.core_type = #tpu.core_type<sc_vector_subcore>, window_params = [{transform_indices = #map}, {transform_indices = #map1}]} {
    %mul3A = arith.constant 2 : i32
    %mul3A_0 = arith.muli %arg1, %mul3A : i32
    %add3A = arith.addi %mul3A_0, %arg0 : i32
    %broadcast_in_dim3A = arith.constant 1.000000e+00 : f32
    %broadcast_in_dim3A_1 = vector.broadcast %broadcast_in_dim3A : f32 to vector<16xf32>
    %broadcast_in_dim3A_2 = arith.constant 0.000000e+00 : f32
    %broadcast_in_dim3A_3 = vector.broadcast %broadcast_in_dim3A_2 : f32 to vector<16xf32>
    %iota3A = tpu.iota {dimensions = array<i32: 0>} : vector<16xi32>
    %scan3A = arith.constant 0 : i32
    %scan3A_4 = arith.constant 0 : i32
    %scan3A_5 = arith.constant 16 : i32
    %scan3A_6 = arith.addi %scan3A_4, %scan3A_5 : i32
    %scan3A_7 = arith.constant 1 : i32
    scf.for %scan3A_9 = %scan3A_4 to %scan3A_6 step %scan3A_7  : i32 {
      %mul3A_10 = arith.constant 16 : i32
      %mul3A_11 = arith.muli %add3A, %mul3A_10 : i32
      %add3A_12 = arith.addi %mul3A_11, %scan3A_9 : i32
      %jit3A = arith.constant 256 : i32
      %div3A = arith.divsi %add3A_12, %jit3A : i32
      %sign3A = arith.constant 0 : i32
      %sign3A_13 = arith.cmpi sgt, %add3A_12, %sign3A : i32
      %sign3A_14 = arith.extui %sign3A_13 : i1 to i32
      %sign3A_15 = arith.constant 0 : i32
      %sign3A_16 = arith.cmpi slt, %add3A_12, %sign3A_15 : i32
      %sign3A_17 = arith.extui %sign3A_16 : i1 to i32
      %sign3A_18 = arith.subi %sign3A_14, %sign3A_17 : i32
      %sign3A_19 = arith.constant 0 : i32
      %sign3A_20 = arith.cmpi sgt, %jit3A, %sign3A_19 : i32
      %sign3A_21 = arith.extui %sign3A_20 : i1 to i32
      %sign3A_22 = arith.constant 0 : i32
      %sign3A_23 = arith.cmpi slt, %jit3A, %sign3A_22 : i32
      %sign3A_24 = arith.extui %sign3A_23 : i1 to i32
      %sign3A_25 = arith.subi %sign3A_21, %sign3A_24 : i32
      %ne3A = arith.cmpi ne, %sign3A_18, %sign3A_25 : i32
      %rem3A = arith.remsi %add3A_12, %jit3A : i32
      %ne3A_26 = arith.constant 0 : i32
      %ne3A_27 = arith.cmpi ne, %rem3A, %ne3A_26 : i32
      %and3A = arith.andi %ne3A, %ne3A_27 : i1
      %sub3A = arith.constant 1 : i32
      %sub3A_28 = arith.subi %div3A, %sub3A : i32
      %select_n3A = arith.select %and3A, %sub3A_28, %div3A : i32
      %jit3A_29 = arith.constant 256 : i32
      %eq3A = arith.constant 0 : i32
      %eq3A_30 = arith.cmpi eq, %jit3A_29, %eq3A : i32
      %jit3A_31 = arith.constant 1 : i32
      %select_n3A_32 = arith.select %eq3A_30, %jit3A_31, %jit3A_29 : i32
      %rem3A_33 = arith.remsi %add3A_12, %select_n3A_32 : i32
      %ne3A_34 = arith.constant 0 : i32
      %ne3A_35 = arith.cmpi ne, %rem3A_33, %ne3A_34 : i32
      %lt3A = arith.constant 0 : i32
      %lt3A_36 = arith.cmpi slt, %rem3A_33, %lt3A : i32
      %lt3A_37 = arith.constant 0 : i32
      %lt3A_38 = arith.cmpi slt, %select_n3A_32, %lt3A_37 : i32
      %ne3A_39 = arith.xori %lt3A_36, %lt3A_38 : i1
      %and3A_40 = arith.andi %ne3A_39, %ne3A_35 : i1
      %add3A_41 = arith.addi %rem3A_33, %select_n3A_32 : i32
      %select_n3A_42 = arith.select %and3A_40, %add3A_41, %rem3A_33 : i32
      %jit3A_43 = arith.constant 4 : i32
      %div3A_44 = arith.divsi %select_n3A_42, %jit3A_43 : i32
      %sign3A_45 = arith.constant 0 : i32
      %sign3A_46 = arith.cmpi sgt, %select_n3A_42, %sign3A_45 : i32
      %sign3A_47 = arith.extui %sign3A_46 : i1 to i32
      %sign3A_48 = arith.constant 0 : i32
      %sign3A_49 = arith.cmpi slt, %select_n3A_42, %sign3A_48 : i32
      %sign3A_50 = arith.extui %sign3A_49 : i1 to i32
      %sign3A_51 = arith.subi %sign3A_47, %sign3A_50 : i32
      %sign3A_52 = arith.constant 0 : i32
      %sign3A_53 = arith.cmpi sgt, %jit3A_43, %sign3A_52 : i32
      %sign3A_54 = arith.extui %sign3A_53 : i1 to i32
      %sign3A_55 = arith.constant 0 : i32
      %sign3A_56 = arith.cmpi slt, %jit3A_43, %sign3A_55 : i32
      %sign3A_57 = arith.extui %sign3A_56 : i1 to i32
      %sign3A_58 = arith.subi %sign3A_54, %sign3A_57 : i32
      %ne3A_59 = arith.cmpi ne, %sign3A_51, %sign3A_58 : i32
      %rem3A_60 = arith.remsi %select_n3A_42, %jit3A_43 : i32
      %ne3A_61 = arith.constant 0 : i32
      %ne3A_62 = arith.cmpi ne, %rem3A_60, %ne3A_61 : i32
      %and3A_63 = arith.andi %ne3A_59, %ne3A_62 : i1
      %sub3A_64 = arith.constant 1 : i32
      %sub3A_65 = arith.subi %div3A_44, %sub3A_64 : i32
      %select_n3A_66 = arith.select %and3A_63, %sub3A_65, %div3A_44 : i32
      %jit3A_67 = arith.constant 4 : i32
      %eq3A_68 = arith.constant 0 : i32
      %eq3A_69 = arith.cmpi eq, %jit3A_67, %eq3A_68 : i32
      %jit3A_70 = arith.constant 1 : i32
      %select_n3A_71 = arith.select %eq3A_69, %jit3A_70, %jit3A_67 : i32
      %rem3A_72 = arith.remsi %select_n3A_42, %select_n3A_71 : i32
      %ne3A_73 = arith.constant 0 : i32
      %ne3A_74 = arith.cmpi ne, %rem3A_72, %ne3A_73 : i32
      %lt3A_75 = arith.constant 0 : i32
      %lt3A_76 = arith.cmpi slt, %rem3A_72, %lt3A_75 : i32
      %lt3A_77 = arith.constant 0 : i32
      %lt3A_78 = arith.cmpi slt, %select_n3A_71, %lt3A_77 : i32
      %ne3A_79 = arith.xori %lt3A_76, %lt3A_78 : i1
      %and3A_80 = arith.andi %ne3A_79, %ne3A_74 : i1
      %add3A_81 = arith.addi %rem3A_72, %select_n3A_71 : i32
      %select_n3A_82 = arith.select %and3A_80, %add3A_81, %rem3A_72 : i32
      %convert_element_type3A = arith.sitofp %select_n3A_66 : i32 to f32
      "tpu.region"() ({
        %run_scoped3A = tpu.sem_alloc : memref<!tpu.dma_semaphore, #tpu.memory_space<semaphore_mem>>
        %dma_start3A = arith.constant 0 : i32
        %dma_start3A_95 = arith.constant 0 : i32
        %dma_start3A_96 = arith.constant 0 : i32
        %dma_start3A_97 = tpu.memref_slice %arg2[%select_n3A, %select_n3A_82, %dma_start3A, %dma_start3A_95, %dma_start3A_96] : memref<2x4x3x8x1024xf32, #tpu.memory_space<hbm>> -> memref<1x1x3x8x1024xf32, #tpu.memory_space<hbm>>
        %dma_start3A_98 = tpu.memref_squeeze %dma_start3A_97 : memref<1x1x3x8x1024xf32, #tpu.memory_space<hbm>> -> memref<3x8x1024xf32, #tpu.memory_space<hbm>>
        %dma_start3A_99 = arith.constant 0 : i32
        %dma_start3A_100 = arith.constant 0 : i32
        %dma_start3A_101 = arith.constant 0 : i32
        %dma_start3A_102 = tpu.memref_slice %arg2[%select_n3A, %select_n3A_82, %dma_start3A_99, %dma_start3A_100, %dma_start3A_101] : memref<2x4x3x8x1024xf32, #tpu.memory_space<hbm>> -> memref<1x1x3x8x1024xf32, #tpu.memory_space<hbm>>
        %dma_start3A_103 = tpu.memref_squeeze %dma_start3A_102 : memref<1x1x3x8x1024xf32, #tpu.memory_space<hbm>> -> memref<3x8x1024xf32, #tpu.memory_space<hbm>>
        tpu.enqueue_dma source(%dma_start3A_103 : memref<3x8x1024xf32, #tpu.memory_space<hbm>>) target(%arg4 : memref<3x8x1024xf32, #tpu.memory_space<vmem>>) target_semaphore(%run_scoped3A : memref<!tpu.dma_semaphore, #tpu.memory_space<semaphore_mem>>)
        %dma_wait3A = arith.constant 0 : i32
        %dma_wait3A_104 = arith.constant 0 : i32
        %dma_wait3A_105 = arith.constant 0 : i32
        %dma_wait3A_106 = tpu.memref_slice %arg2[%select_n3A, %select_n3A_82, %dma_wait3A, %dma_wait3A_104, %dma_wait3A_105] : memref<2x4x3x8x1024xf32, #tpu.memory_space<hbm>> -> memref<1x1x3x8x1024xf32, #tpu.memory_space<hbm>>
        %dma_wait3A_107 = tpu.memref_squeeze %dma_wait3A_106 : memref<1x1x3x8x1024xf32, #tpu.memory_space<hbm>> -> memref<3x8x1024xf32, #tpu.memory_space<hbm>>
        %dma_wait3A_108 = arith.constant 0 : i32
        %dma_wait3A_109 = arith.constant 0 : i32
        %dma_wait3A_110 = arith.constant 0 : i32
        %dma_wait3A_111 = tpu.memref_slice %arg2[%select_n3A, %select_n3A_82, %dma_wait3A_108, %dma_wait3A_109, %dma_wait3A_110] : memref<2x4x3x8x1024xf32, #tpu.memory_space<hbm>> -> memref<1x1x3x8x1024xf32, #tpu.memory_space<hbm>>
        %dma_wait3A_112 = tpu.memref_squeeze %dma_wait3A_111 : memref<1x1x3x8x1024xf32, #tpu.memory_space<hbm>> -> memref<3x8x1024xf32, #tpu.memory_space<hbm>>
        tpu.wait_dma2 semaphore(%run_scoped3A : memref<!tpu.dma_semaphore, #tpu.memory_space<semaphore_mem>>) src(%dma_wait3A_112 : memref<3x8x1024xf32, #tpu.memory_space<hbm>>) dst(%arg4 : memref<3x8x1024xf32, #tpu.memory_space<vmem>>)
        tpu.yield
      }) : () -> ()
      %scan3A_83 = arith.constant 0 : i32
      %scan3A_84 = arith.constant 0 : i32
      %scan3A_85 = arith.constant 256 : i32
      %scan3A_86 = arith.addi %scan3A_84, %scan3A_85 : i32
      %scan3A_87 = arith.constant 1 : i32
      scf.for %scan3A_95 = %scan3A_84 to %scan3A_86 step %scan3A_87  : i32 {
        %mul3A_96 = arith.constant 256 : i32
        %mul3A_97 = arith.muli %scan3A_95, %mul3A_96 : i32
        %add3A_98 = arith.constant 0 : i32
        %add3A_99 = arith.addi %mul3A_97, %add3A_98 : i32
        %swap3A = arith.index_cast %add3A_99 : i32 to index
        %swap3A_100 = tpu.vector_load %arg5[%swap3A] {strides = array<i32>} : memref<65536xf32, #tpu.memory_space<vmem>>, vector<16xf32>,
        tpu.vector_store %arg5[%swap3A], %broadcast_in_dim3A_3 {strides = array<i32>} : memref<65536xf32, #tpu.memory_space<vmem>>, vector<16xf32>,
        %mul3A_101 = arith.constant 256 : i32
        %mul3A_102 = arith.muli %scan3A_95, %mul3A_101 : i32
        %add3A_103 = arith.constant 16 : i32
        %add3A_104 = arith.addi %mul3A_102, %add3A_103 : i32
        %swap3A_105 = arith.index_cast %add3A_104 : i32 to index
        %swap3A_106 = tpu.vector_load %arg5[%swap3A_105] {strides = array<i32>} : memref<65536xf32, #tpu.memory_space<vmem>>, vector<16xf32>,
        tpu.vector_store %arg5[%swap3A_105], %broadcast_in_dim3A_3 {strides = array<i32>} : memref<65536xf32, #tpu.memory_space<vmem>>, vector<16xf32>,
        %mul3A_107 = arith.constant 256 : i32
        %mul3A_108 = arith.muli %scan3A_95, %mul3A_107 : i32
        %add3A_109 = arith.constant 32 : i32
        %add3A_110 = arith.addi %mul3A_108, %add3A_109 : i32
        %swap3A_111 = arith.index_cast %add3A_110 : i32 to index
        %swap3A_112 = tpu.vector_load %arg5[%swap3A_111] {strides = array<i32>} : memref<65536xf32, #tpu.memory_space<vmem>>, vector<16xf32>,
        tpu.vector_store %arg5[%swap3A_111], %broadcast_in_dim3A_3 {strides = array<i32>} : memref<65536xf32, #tpu.memory_space<vmem>>, vector<16xf32>,
        %mul3A_113 = arith.constant 256 : i32
        %mul3A_114 = arith.muli %scan3A_95, %mul3A_113 : i32
        %add3A_115 = arith.constant 48 : i32
        %add3A_116 = arith.addi %mul3A_114, %add3A_115 : i32
        %swap3A_117 = arith.index_cast %add3A_116 : i32 to index
        %swap3A_118 = tpu.vector_load %arg5[%swap3A_117] {strides = array<i32>} : memref<65536xf32, #tpu.memory_space<vmem>>, vector<16xf32>,
        tpu.vector_store %arg5[%swap3A_117], %broadcast_in_dim3A_3 {strides = array<i32>} : memref<65536xf32, #tpu.memory_space<vmem>>, vector<16xf32>,
        %mul3A_119 = arith.constant 256 : i32
        %mul3A_120 = arith.muli %scan3A_95, %mul3A_119 : i32
        %add3A_121 = arith.constant 64 : i32
        %add3A_122 = arith.addi %mul3A_120, %add3A_121 : i32
        %swap3A_123 = arith.index_cast %add3A_122 : i32 to index
        %swap3A_124 = tpu.vector_load %arg5[%swap3A_123] {strides = array<i32>} : memref<65536xf32, #tpu.memory_space<vmem>>, vector<16xf32>,
        tpu.vector_store %arg5[%swap3A_123], %broadcast_in_dim3A_3 {strides = array<i32>} : memref<65536xf32, #tpu.memory_space<vmem>>, vector<16xf32>,
        %mul3A_125 = arith.constant 256 : i32
        %mul3A_126 = arith.muli %scan3A_95, %mul3A_125 : i32
        %add3A_127 = arith.constant 80 : i32
        %add3A_128 = arith.addi %mul3A_126, %add3A_127 : i32
        %swap3A_129 = arith.index_cast %add3A_128 : i32 to index
        %swap3A_130 = tpu.vector_load %arg5[%swap3A_129] {strides = array<i32>} : memref<65536xf32, #tpu.memory_space<vmem>>, vector<16xf32>,
        tpu.vector_store %arg5[%swap3A_129], %broadcast_in_dim3A_3 {strides = array<i32>} : memref<65536xf32, #tpu.memory_space<vmem>>, vector<16xf32>,
        %mul3A_131 = arith.constant 256 : i32
        %mul3A_132 = arith.muli %scan3A_95, %mul3A_131 : i32
        %add3A_133 = arith.constant 96 : i32
        %add3A_134 = arith.addi %mul3A_132, %add3A_133 : i32
        %swap3A_135 = arith.index_cast %add3A_134 : i32 to index
        %swap3A_136 = tpu.vector_load %arg5[%swap3A_135] {strides = array<i32>} : memref<65536xf32, #tpu.memory_space<vmem>>, vector<16xf32>,
        tpu.vector_store %arg5[%swap3A_135], %broadcast_in_dim3A_3 {strides = array<i32>} : memref<65536xf32, #tpu.memory_space<vmem>>, vector<16xf32>,
        %mul3A_137 = arith.constant 256 : i32
        %mul3A_138 = arith.muli %scan3A_95, %mul3A_137 : i32
        %add3A_139 = arith.constant 112 : i32
        %add3A_140 = arith.addi %mul3A_138, %add3A_139 : i32
        %swap3A_141 = arith.index_cast %add3A_140 : i32 to index
        %swap3A_142 = tpu.vector_load %arg5[%swap3A_141] {strides = array<i32>} : memref<65536xf32, #tpu.memory_space<vmem>>, vector<16xf32>,
        tpu.vector_store %arg5[%swap3A_141], %broadcast_in_dim3A_3 {strides = array<i32>} : memref<65536xf32, #tpu.memory_space<vmem>>, vector<16xf32>,
        %mul3A_143 = arith.constant 256 : i32
        %mul3A_144 = arith.muli %scan3A_95, %mul3A_143 : i32
        %add3A_145 = arith.constant 128 : i32
        %add3A_146 = arith.addi %mul3A_144, %add3A_145 : i32
        %swap3A_147 = arith.index_cast %add3A_146 : i32 to index
        %swap3A_148 = tpu.vector_load %arg5[%swap3A_147] {strides = array<i32>} : memref<65536xf32, #tpu.memory_space<vmem>>, vector<16xf32>,
        tpu.vector_store %arg5[%swap3A_147], %broadcast_in_dim3A_3 {strides = array<i32>} : memref<65536xf32, #tpu.memory_space<vmem>>, vector<16xf32>,
        %mul3A_149 = arith.constant 256 : i32
        %mul3A_150 = arith.muli %scan3A_95, %mul3A_149 : i32
        %add3A_151 = arith.constant 144 : i32
        %add3A_152 = arith.addi %mul3A_150, %add3A_151 : i32
        %swap3A_153 = arith.index_cast %add3A_152 : i32 to index
        %swap3A_154 = tpu.vector_load %arg5[%swap3A_153] {strides = array<i32>} : memref<65536xf32, #tpu.memory_space<vmem>>, vector<16xf32>,
        tpu.vector_store %arg5[%swap3A_153], %broadcast_in_dim3A_3 {strides = array<i32>} : memref<65536xf32, #tpu.memory_space<vmem>>, vector<16xf32>,
        %mul3A_155 = arith.constant 256 : i32
        %mul3A_156 = arith.muli %scan3A_95, %mul3A_155 : i32
        %add3A_157 = arith.constant 160 : i32
        %add3A_158 = arith.addi %mul3A_156, %add3A_157 : i32
        %swap3A_159 = arith.index_cast %add3A_158 : i32 to index
        %swap3A_160 = tpu.vector_load %arg5[%swap3A_159] {strides = array<i32>} : memref<65536xf32, #tpu.memory_space<vmem>>, vector<16xf32>,
        tpu.vector_store %arg5[%swap3A_159], %broadcast_in_dim3A_3 {strides = array<i32>} : memref<65536xf32, #tpu.memory_space<vmem>>, vector<16xf32>,
        %mul3A_161 = arith.constant 256 : i32
        %mul3A_162 = arith.muli %scan3A_95, %mul3A_161 : i32
        %add3A_163 = arith.constant 176 : i32
        %add3A_164 = arith.addi %mul3A_162, %add3A_163 : i32
        %swap3A_165 = arith.index_cast %add3A_164 : i32 to index
        %swap3A_166 = tpu.vector_load %arg5[%swap3A_165] {strides = array<i32>} : memref<65536xf32, #tpu.memory_space<vmem>>, vector<16xf32>,
        tpu.vector_store %arg5[%swap3A_165], %broadcast_in_dim3A_3 {strides = array<i32>} : memref<65536xf32, #tpu.memory_space<vmem>>, vector<16xf32>,
        %mul3A_167 = arith.constant 256 : i32
        %mul3A_168 = arith.muli %scan3A_95, %mul3A_167 : i32
        %add3A_169 = arith.constant 192 : i32
        %add3A_170 = arith.addi %mul3A_168, %add3A_169 : i32
        %swap3A_171 = arith.index_cast %add3A_170 : i32 to index
        %swap3A_172 = tpu.vector_load %arg5[%swap3A_171] {strides = array<i32>} : memref<65536xf32, #tpu.memory_space<vmem>>, vector<16xf32>,
        tpu.vector_store %arg5[%swap3A_171], %broadcast_in_dim3A_3 {strides = array<i32>} : memref<65536xf32, #tpu.memory_space<vmem>>, vector<16xf32>,
        %mul3A_173 = arith.constant 256 : i32
        %mul3A_174 = arith.muli %scan3A_95, %mul3A_173 : i32
        %add3A_175 = arith.constant 208 : i32
        %add3A_176 = arith.addi %mul3A_174, %add3A_175 : i32
        %swap3A_177 = arith.index_cast %add3A_176 : i32 to index
        %swap3A_178 = tpu.vector_load %arg5[%swap3A_177] {strides = array<i32>} : memref<65536xf32, #tpu.memory_space<vmem>>, vector<16xf32>,
        tpu.vector_store %arg5[%swap3A_177], %broadcast_in_dim3A_3 {strides = array<i32>} : memref<65536xf32, #tpu.memory_space<vmem>>, vector<16xf32>,
        %mul3A_179 = arith.constant 256 : i32
        %mul3A_180 = arith.muli %scan3A_95, %mul3A_179 : i32
        %add3A_181 = arith.constant 224 : i32
        %add3A_182 = arith.addi %mul3A_180, %add3A_181 : i32
        %swap3A_183 = arith.index_cast %add3A_182 : i32 to index
        %swap3A_184 = tpu.vector_load %arg5[%swap3A_183] {strides = array<i32>} : memref<65536xf32, #tpu.memory_space<vmem>>, vector<16xf32>,
        tpu.vector_store %arg5[%swap3A_183], %broadcast_in_dim3A_3 {strides = array<i32>} : memref<65536xf32, #tpu.memory_space<vmem>>, vector<16xf32>,
        %mul3A_185 = arith.constant 256 : i32
        %mul3A_186 = arith.muli %scan3A_95, %mul3A_185 : i32
        %add3A_187 = arith.constant 240 : i32
        %add3A_188 = arith.addi %mul3A_186, %add3A_187 : i32
        %swap3A_189 = arith.index_cast %add3A_188 : i32 to index
        %swap3A_190 = tpu.vector_load %arg5[%swap3A_189] {strides = array<i32>} : memref<65536xf32, #tpu.memory_space<vmem>>, vector<16xf32>,
        tpu.vector_store %arg5[%swap3A_189], %broadcast_in_dim3A_3 {strides = array<i32>} : memref<65536xf32, #tpu.memory_space<vmem>>, vector<16xf32>,
      }
      %scan3A_88 = arith.constant 256 : i32
      %scan3A_89 = arith.constant 0 : i32
      %scan3A_90 = arith.constant 0 : i32
      %scan3A_91 = arith.constant 64 : i32
      %scan3A_92 = arith.addi %scan3A_90, %scan3A_91 : i32
      %scan3A_93 = arith.constant 1 : i32
      scf.for %scan3A_95 = %scan3A_90 to %scan3A_92 step %scan3A_93  : i32 {
        %mul3A_96 = arith.constant 16 : i32
        %mul3A_97 = arith.muli %scan3A_95, %mul3A_96 : i32
        %add3A_98 = vector.broadcast %mul3A_97 : i32 to vector<16xi32>
        %add3A_99 = arith.addi %add3A_98, %iota3A : vector<16xi32>
        %mul3A_100 = arith.constant 16 : i32
        %mul3A_101 = arith.muli %scan3A_95, %mul3A_100 : i32
        %get3A = arith.constant 0 : i32
        %get3A_102 = arith.constant 0 : i32
        %get3A_103 = arith.index_cast %get3A : i32 to index
        %get3A_104 = arith.index_cast %get3A_102 : i32 to index
        %get3A_105 = arith.index_cast %mul3A_101 : i32 to index
        %get3A_106 = tpu.vector_load %arg4[%get3A_103, %get3A_104, %get3A_105] {strides = array<i32>} : memref<3x8x1024xf32, #tpu.memory_space<vmem>>, vector<16xf32>,
        %mul3A_107 = arith.constant 16 : i32
        %mul3A_108 = arith.muli %scan3A_95, %mul3A_107 : i32
        %get3A_109 = arith.constant 1 : i32
        %get3A_110 = arith.constant 0 : i32
        %get3A_111 = arith.index_cast %get3A_109 : i32 to index
        %get3A_112 = arith.index_cast %get3A_110 : i32 to index
        %get3A_113 = arith.index_cast %mul3A_108 : i32 to index
        %get3A_114 = tpu.vector_load %arg4[%get3A_111, %get3A_112, %get3A_113] {strides = array<i32>} : memref<3x8x1024xf32, #tpu.memory_space<vmem>>, vector<16xf32>,
        %mul3A_115 = arith.constant 16 : i32
        %mul3A_116 = arith.muli %scan3A_95, %mul3A_115 : i32
        %get3A_117 = arith.constant 2 : i32
        %get3A_118 = arith.constant 0 : i32
        %get3A_119 = arith.index_cast %get3A_117 : i32 to index
        %get3A_120 = arith.index_cast %get3A_118 : i32 to index
        %get3A_121 = arith.index_cast %mul3A_116 : i32 to index
        %get3A_122 = tpu.vector_load %arg4[%get3A_119, %get3A_120, %get3A_121] {strides = array<i32>} : memref<3x8x1024xf32, #tpu.memory_space<vmem>>, vector<16xf32>,
        %mul3A_123 = vector.broadcast %convert_element_type3A : f32 to vector<16xf32>
        %mul3A_124 = arith.mulf %get3A_106, %mul3A_123 : vector<16xf32>
        %add3A_125 = arith.addf %mul3A_124, %get3A_122 : vector<16xf32>
        %neg3A = arith.constant 0.000000e+00 : f32
        %neg3A_126 = vector.broadcast %neg3A : f32 to vector<16xf32>
        %neg3A_127 = arith.subf %neg3A_126, %add3A_125 : vector<16xf32>
        %div3A_128 = arith.divf %neg3A_127, %get3A_114 : vector<16xf32>
        %ge3A = arith.constant 1.000000e+00 : f32
        %ge3A_129 = vector.broadcast %ge3A : f32 to vector<16xf32>
        %ge3A_130 = arith.cmpf oge, %div3A_128, %ge3A_129 : vector<16xf32>
        %lt3A_131 = arith.constant 6.300000e+01 : f32
        %lt3A_132 = vector.broadcast %lt3A_131 : f32 to vector<16xf32>
        %lt3A_133 = arith.cmpf olt, %div3A_128, %lt3A_132 : vector<16xf32>
        %and3A_134 = arith.andi %ge3A_130, %lt3A_133 : vector<16xi1>
        %jit3A_135 = arith.constant 1.000000e+00 : f32
        %broadcast_in_dim3A_136 = vector.broadcast %jit3A_135 : f32 to vector<16xf32>
        %select_n3A_137 = arith.select %and3A_134, %div3A_128, %broadcast_in_dim3A_136 : vector<16xi1>, vector<16xf32>
        %convert_element_type3A_138 = arith.fptosi %select_n3A_137 : vector<16xf32> to vector<16xi32>
        %mul3A_139 = arith.constant 1024 : i32
        %mul3A_140 = vector.broadcast %mul3A_139 : i32 to vector<16xi32>
        %mul3A_141 = arith.muli %convert_element_type3A_138, %mul3A_140 : vector<16xi32>
        %add3A_142 = arith.addi %mul3A_141, %add3A_99 : vector<16xi32>
        tpu.vector_store_idx %arg5[%add3A_142], %broadcast_in_dim3A_1 masked %and3A_134 {add = true} : memref<65536xf32, #tpu.memory_space<vmem>>[vector<16xi32>], vector<16xf32>, vector<16xi1>
        %mul3A_143 = arith.constant 16 : i32
        %mul3A_144 = arith.muli %scan3A_95, %mul3A_143 : i32
        %get3A_145 = arith.constant 0 : i32
        %get3A_146 = arith.constant 1 : i32
        %get3A_147 = arith.index_cast %get3A_145 : i32 to index
        %get3A_148 = arith.index_cast %get3A_146 : i32 to index
        %get3A_149 = arith.index_cast %mul3A_144 : i32 to index
        %get3A_150 = tpu.vector_load %arg4[%get3A_147, %get3A_148, %get3A_149] {strides = array<i32>} : memref<3x8x1024xf32, #tpu.memory_space<vmem>>, vector<16xf32>,
        %mul3A_151 = arith.constant 16 : i32
        %mul3A_152 = arith.muli %scan3A_95, %mul3A_151 : i32
        %get3A_153 = arith.constant 1 : i32
        %get3A_154 = arith.constant 1 : i32
        %get3A_155 = arith.index_cast %get3A_153 : i32 to index
        %get3A_156 = arith.index_cast %get3A_154 : i32 to index
        %get3A_157 = arith.index_cast %mul3A_152 : i32 to index
        %get3A_158 = tpu.vector_load %arg4[%get3A_155, %get3A_156, %get3A_157] {strides = array<i32>} : memref<3x8x1024xf32, #tpu.memory_space<vmem>>, vector<16xf32>,
        %mul3A_159 = arith.constant 16 : i32
        %mul3A_160 = arith.muli %scan3A_95, %mul3A_159 : i32
        %get3A_161 = arith.constant 2 : i32
        %get3A_162 = arith.constant 1 : i32
        %get3A_163 = arith.index_cast %get3A_161 : i32 to index
        %get3A_164 = arith.index_cast %get3A_162 : i32 to index
        %get3A_165 = arith.index_cast %mul3A_160 : i32 to index
        %get3A_166 = tpu.vector_load %arg4[%get3A_163, %get3A_164, %get3A_165] {strides = array<i32>} : memref<3x8x1024xf32, #tpu.memory_space<vmem>>, vector<16xf32>,
        %mul3A_167 = vector.broadcast %convert_element_type3A : f32 to vector<16xf32>
        %mul3A_168 = arith.mulf %get3A_150, %mul3A_167 : vector<16xf32>
        %add3A_169 = arith.addf %mul3A_168, %get3A_166 : vector<16xf32>
        %neg3A_170 = arith.constant 0.000000e+00 : f32
        %neg3A_171 = vector.broadcast %neg3A_170 : f32 to vector<16xf32>
        %neg3A_172 = arith.subf %neg3A_171, %add3A_169 : vector<16xf32>
        %div3A_173 = arith.divf %neg3A_172, %get3A_158 : vector<16xf32>
        %ge3A_174 = arith.constant 1.000000e+00 : f32
        %ge3A_175 = vector.broadcast %ge3A_174 : f32 to vector<16xf32>
        %ge3A_176 = arith.cmpf oge, %div3A_173, %ge3A_175 : vector<16xf32>
        %lt3A_177 = arith.constant 6.300000e+01 : f32
        %lt3A_178 = vector.broadcast %lt3A_177 : f32 to vector<16xf32>
        %lt3A_179 = arith.cmpf olt, %div3A_173, %lt3A_178 : vector<16xf32>
        %and3A_180 = arith.andi %ge3A_176, %lt3A_179 : vector<16xi1>
        %jit3A_181 = arith.constant 1.000000e+00 : f32
        %broadcast_in_dim3A_182 = vector.broadcast %jit3A_181 : f32 to vector<16xf32>
        %select_n3A_183 = arith.select %and3A_180, %div3A_173, %broadcast_in_dim3A_182 : vector<16xi1>, vector<16xf32>
        %convert_element_type3A_184 = arith.fptosi %select_n3A_183 : vector<16xf32> to vector<16xi32>
        %mul3A_185 = arith.constant 1024 : i32
        %mul3A_186 = vector.broadcast %mul3A_185 : i32 to vector<16xi32>
        %mul3A_187 = arith.muli %convert_element_type3A_184, %mul3A_186 : vector<16xi32>
        %add3A_188 = arith.addi %mul3A_187, %add3A_99 : vector<16xi32>
        tpu.vector_store_idx %arg5[%add3A_188], %broadcast_in_dim3A_1 masked %and3A_180 {add = true} : memref<65536xf32, #tpu.memory_space<vmem>>[vector<16xi32>], vector<16xf32>, vector<16xi1>
        %mul3A_189 = arith.constant 16 : i32
        %mul3A_190 = arith.muli %scan3A_95, %mul3A_189 : i32
        %get3A_191 = arith.constant 0 : i32
        %get3A_192 = arith.constant 2 : i32
        %get3A_193 = arith.index_cast %get3A_191 : i32 to index
        %get3A_194 = arith.index_cast %get3A_192 : i32 to index
        %get3A_195 = arith.index_cast %mul3A_190 : i32 to index
        %get3A_196 = tpu.vector_load %arg4[%get3A_193, %get3A_194, %get3A_195] {strides = array<i32>} : memref<3x8x1024xf32, #tpu.memory_space<vmem>>, vector<16xf32>,
        %mul3A_197 = arith.constant 16 : i32
        %mul3A_198 = arith.muli %scan3A_95, %mul3A_197 : i32
        %get3A_199 = arith.constant 1 : i32
        %get3A_200 = arith.constant 2 : i32
        %get3A_201 = arith.index_cast %get3A_199 : i32 to index
        %get3A_202 = arith.index_cast %get3A_200 : i32 to index
        %get3A_203 = arith.index_cast %mul3A_198 : i32 to index
        %get3A_204 = tpu.vector_load %arg4[%get3A_201, %get3A_202, %get3A_203] {strides = array<i32>} : memref<3x8x1024xf32, #tpu.memory_space<vmem>>, vector<16xf32>,
        %mul3A_205 = arith.constant 16 : i32
        %mul3A_206 = arith.muli %scan3A_95, %mul3A_205 : i32
        %get3A_207 = arith.constant 2 : i32
        %get3A_208 = arith.constant 2 : i32
        %get3A_209 = arith.index_cast %get3A_207 : i32 to index
        %get3A_210 = arith.index_cast %get3A_208 : i32 to index
        %get3A_211 = arith.index_cast %mul3A_206 : i32 to index
        %get3A_212 = tpu.vector_load %arg4[%get3A_209, %get3A_210, %get3A_211] {strides = array<i32>} : memref<3x8x1024xf32, #tpu.memory_space<vmem>>, vector<16xf32>,
        %mul3A_213 = vector.broadcast %convert_element_type3A : f32 to vector<16xf32>
        %mul3A_214 = arith.mulf %get3A_196, %mul3A_213 : vector<16xf32>
        %add3A_215 = arith.addf %mul3A_214, %get3A_212 : vector<16xf32>
        %neg3A_216 = arith.constant 0.000000e+00 : f32
        %neg3A_217 = vector.broadcast %neg3A_216 : f32 to vector<16xf32>
        %neg3A_218 = arith.subf %neg3A_217, %add3A_215 : vector<16xf32>
        %div3A_219 = arith.divf %neg3A_218, %get3A_204 : vector<16xf32>
        %ge3A_220 = arith.constant 1.000000e+00 : f32
        %ge3A_221 = vector.broadcast %ge3A_220 : f32 to vector<16xf32>
        %ge3A_222 = arith.cmpf oge, %div3A_219, %ge3A_221 : vector<16xf32>
        %lt3A_223 = arith.constant 6.300000e+01 : f32
        %lt3A_224 = vector.broadcast %lt3A_223 : f32 to vector<16xf32>
        %lt3A_225 = arith.cmpf olt, %div3A_219, %lt3A_224 : vector<16xf32>
        %and3A_226 = arith.andi %ge3A_222, %lt3A_225 : vector<16xi1>
        %jit3A_227 = arith.constant 1.000000e+00 : f32
        %broadcast_in_dim3A_228 = vector.broadcast %jit3A_227 : f32 to vector<16xf32>
        %select_n3A_229 = arith.select %and3A_226, %div3A_219, %broadcast_in_dim3A_228 : vector<16xi1>, vector<16xf32>
        %convert_element_type3A_230 = arith.fptosi %select_n3A_229 : vector<16xf32> to vector<16xi32>
        %mul3A_231 = arith.constant 1024 : i32
        %mul3A_232 = vector.broadcast %mul3A_231 : i32 to vector<16xi32>
        %mul3A_233 = arith.muli %convert_element_type3A_230, %mul3A_232 : vector<16xi32>
        %add3A_234 = arith.addi %mul3A_233, %add3A_99 : vector<16xi32>
        tpu.vector_store_idx %arg5[%add3A_234], %broadcast_in_dim3A_1 masked %and3A_226 {add = true} : memref<65536xf32, #tpu.memory_space<vmem>>[vector<16xi32>], vector<16xf32>, vector<16xi1>
        %mul3A_235 = arith.constant 16 : i32
        %mul3A_236 = arith.muli %scan3A_95, %mul3A_235 : i32
        %get3A_237 = arith.constant 0 : i32
        %get3A_238 = arith.constant 3 : i32
        %get3A_239 = arith.index_cast %get3A_237 : i32 to index
        %get3A_240 = arith.index_cast %get3A_238 : i32 to index
        %get3A_241 = arith.index_cast %mul3A_236 : i32 to index
        %get3A_242 = tpu.vector_load %arg4[%get3A_239, %get3A_240, %get3A_241] {strides = array<i32>} : memref<3x8x1024xf32, #tpu.memory_space<vmem>>, vector<16xf32>,
        %mul3A_243 = arith.constant 16 : i32
        %mul3A_244 = arith.muli %scan3A_95, %mul3A_243 : i32
        %get3A_245 = arith.constant 1 : i32
        %get3A_246 = arith.constant 3 : i32
        %get3A_247 = arith.index_cast %get3A_245 : i32 to index
        %get3A_248 = arith.index_cast %get3A_246 : i32 to index
        %get3A_249 = arith.index_cast %mul3A_244 : i32 to index
        %get3A_250 = tpu.vector_load %arg4[%get3A_247, %get3A_248, %get3A_249] {strides = array<i32>} : memref<3x8x1024xf32, #tpu.memory_space<vmem>>, vector<16xf32>,
        %mul3A_251 = arith.constant 16 : i32
        %mul3A_252 = arith.muli %scan3A_95, %mul3A_251 : i32
        %get3A_253 = arith.constant 2 : i32
        %get3A_254 = arith.constant 3 : i32
        %get3A_255 = arith.index_cast %get3A_253 : i32 to index
        %get3A_256 = arith.index_cast %get3A_254 : i32 to index
        %get3A_257 = arith.index_cast %mul3A_252 : i32 to index
        %get3A_258 = tpu.vector_load %arg4[%get3A_255, %get3A_256, %get3A_257] {strides = array<i32>} : memref<3x8x1024xf32, #tpu.memory_space<vmem>>, vector<16xf32>,
        %mul3A_259 = vector.broadcast %convert_element_type3A : f32 to vector<16xf32>
        %mul3A_260 = arith.mulf %get3A_242, %mul3A_259 : vector<16xf32>
        %add3A_261 = arith.addf %mul3A_260, %get3A_258 : vector<16xf32>
        %neg3A_262 = arith.constant 0.000000e+00 : f32
        %neg3A_263 = vector.broadcast %neg3A_262 : f32 to vector<16xf32>
        %neg3A_264 = arith.subf %neg3A_263, %add3A_261 : vector<16xf32>
        %div3A_265 = arith.divf %neg3A_264, %get3A_250 : vector<16xf32>
        %ge3A_266 = arith.constant 1.000000e+00 : f32
        %ge3A_267 = vector.broadcast %ge3A_266 : f32 to vector<16xf32>
        %ge3A_268 = arith.cmpf oge, %div3A_265, %ge3A_267 : vector<16xf32>
        %lt3A_269 = arith.constant 6.300000e+01 : f32
        %lt3A_270 = vector.broadcast %lt3A_269 : f32 to vector<16xf32>
        %lt3A_271 = arith.cmpf olt, %div3A_265, %lt3A_270 : vector<16xf32>
        %and3A_272 = arith.andi %ge3A_268, %lt3A_271 : vector<16xi1>
        %jit3A_273 = arith.constant 1.000000e+00 : f32
        %broadcast_in_dim3A_274 = vector.broadcast %jit3A_273 : f32 to vector<16xf32>
        %select_n3A_275 = arith.select %and3A_272, %div3A_265, %broadcast_in_dim3A_274 : vector<16xi1>, vector<16xf32>
        %convert_element_type3A_276 = arith.fptosi %select_n3A_275 : vector<16xf32> to vector<16xi32>
        %mul3A_277 = arith.constant 1024 : i32
        %mul3A_278 = vector.broadcast %mul3A_277 : i32 to vector<16xi32>
        %mul3A_279 = arith.muli %convert_element_type3A_276, %mul3A_278 : vector<16xi32>
        %add3A_280 = arith.addi %mul3A_279, %add3A_99 : vector<16xi32>
        tpu.vector_store_idx %arg5[%add3A_280], %broadcast_in_dim3A_1 masked %and3A_272 {add = true} : memref<65536xf32, #tpu.memory_space<vmem>>[vector<16xi32>], vector<16xf32>, vector<16xi1>
        %mul3A_281 = arith.constant 16 : i32
        %mul3A_282 = arith.muli %scan3A_95, %mul3A_281 : i32
        %get3A_283 = arith.constant 0 : i32
        %get3A_284 = arith.constant 4 : i32
        %get3A_285 = arith.index_cast %get3A_283 : i32 to index
        %get3A_286 = arith.index_cast %get3A_284 : i32 to index
        %get3A_287 = arith.index_cast %mul3A_282 : i32 to index
        %get3A_288 = tpu.vector_load %arg4[%get3A_285, %get3A_286, %get3A_287] {strides = array<i32>} : memref<3x8x1024xf32, #tpu.memory_space<vmem>>, vector<16xf32>,
        %mul3A_289 = arith.constant 16 : i32
        %mul3A_290 = arith.muli %scan3A_95, %mul3A_289 : i32
        %get3A_291 = arith.constant 1 : i32
        %get3A_292 = arith.constant 4 : i32
        %get3A_293 = arith.index_cast %get3A_291 : i32 to index
        %get3A_294 = arith.index_cast %get3A_292 : i32 to index
        %get3A_295 = arith.index_cast %mul3A_290 : i32 to index
        %get3A_296 = tpu.vector_load %arg4[%get3A_293, %get3A_294, %get3A_295] {strides = array<i32>} : memref<3x8x1024xf32, #tpu.memory_space<vmem>>, vector<16xf32>,
        %mul3A_297 = arith.constant 16 : i32
        %mul3A_298 = arith.muli %scan3A_95, %mul3A_297 : i32
        %get3A_299 = arith.constant 2 : i32
        %get3A_300 = arith.constant 4 : i32
        %get3A_301 = arith.index_cast %get3A_299 : i32 to index
        %get3A_302 = arith.index_cast %get3A_300 : i32 to index
        %get3A_303 = arith.index_cast %mul3A_298 : i32 to index
        %get3A_304 = tpu.vector_load %arg4[%get3A_301, %get3A_302, %get3A_303] {strides = array<i32>} : memref<3x8x1024xf32, #tpu.memory_space<vmem>>, vector<16xf32>,
        %mul3A_305 = vector.broadcast %convert_element_type3A : f32 to vector<16xf32>
        %mul3A_306 = arith.mulf %get3A_288, %mul3A_305 : vector<16xf32>
        %add3A_307 = arith.addf %mul3A_306, %get3A_304 : vector<16xf32>
        %neg3A_308 = arith.constant 0.000000e+00 : f32
        %neg3A_309 = vector.broadcast %neg3A_308 : f32 to vector<16xf32>
        %neg3A_310 = arith.subf %neg3A_309, %add3A_307 : vector<16xf32>
        %div3A_311 = arith.divf %neg3A_310, %get3A_296 : vector<16xf32>
        %ge3A_312 = arith.constant 1.000000e+00 : f32
        %ge3A_313 = vector.broadcast %ge3A_312 : f32 to vector<16xf32>
        %ge3A_314 = arith.cmpf oge, %div3A_311, %ge3A_313 : vector<16xf32>
        %lt3A_315 = arith.constant 6.300000e+01 : f32
        %lt3A_316 = vector.broadcast %lt3A_315 : f32 to vector<16xf32>
        %lt3A_317 = arith.cmpf olt, %div3A_311, %lt3A_316 : vector<16xf32>
        %and3A_318 = arith.andi %ge3A_314, %lt3A_317 : vector<16xi1>
        %jit3A_319 = arith.constant 1.000000e+00 : f32
        %broadcast_in_dim3A_320 = vector.broadcast %jit3A_319 : f32 to vector<16xf32>
        %select_n3A_321 = arith.select %and3A_318, %div3A_311, %broadcast_in_dim3A_320 : vector<16xi1>, vector<16xf32>
        %convert_element_type3A_322 = arith.fptosi %select_n3A_321 : vector<16xf32> to vector<16xi32>
        %mul3A_323 = arith.constant 1024 : i32
        %mul3A_324 = vector.broadcast %mul3A_323 : i32 to vector<16xi32>
        %mul3A_325 = arith.muli %convert_element_type3A_322, %mul3A_324 : vector<16xi32>
        %add3A_326 = arith.addi %mul3A_325, %add3A_99 : vector<16xi32>
        tpu.vector_store_idx %arg5[%add3A_326], %broadcast_in_dim3A_1 masked %and3A_318 {add = true} : memref<65536xf32, #tpu.memory_space<vmem>>[vector<16xi32>], vector<16xf32>, vector<16xi1>
        %mul3A_327 = arith.constant 16 : i32
        %mul3A_328 = arith.muli %scan3A_95, %mul3A_327 : i32
        %get3A_329 = arith.constant 0 : i32
        %get3A_330 = arith.constant 5 : i32
        %get3A_331 = arith.index_cast %get3A_329 : i32 to index
        %get3A_332 = arith.index_cast %get3A_330 : i32 to index
        %get3A_333 = arith.index_cast %mul3A_328 : i32 to index
        %get3A_334 = tpu.vector_load %arg4[%get3A_331, %get3A_332, %get3A_333] {strides = array<i32>} : memref<3x8x1024xf32, #tpu.memory_space<vmem>>, vector<16xf32>,
        %mul3A_335 = arith.constant 16 : i32
        %mul3A_336 = arith.muli %scan3A_95, %mul3A_335 : i32
        %get3A_337 = arith.constant 1 : i32
        %get3A_338 = arith.constant 5 : i32
        %get3A_339 = arith.index_cast %get3A_337 : i32 to index
        %get3A_340 = arith.index_cast %get3A_338 : i32 to index
        %get3A_341 = arith.index_cast %mul3A_336 : i32 to index
        %get3A_342 = tpu.vector_load %arg4[%get3A_339, %get3A_340, %get3A_341] {strides = array<i32>} : memref<3x8x1024xf32, #tpu.memory_space<vmem>>, vector<16xf32>,
        %mul3A_343 = arith.constant 16 : i32
        %mul3A_344 = arith.muli %scan3A_95, %mul3A_343 : i32
        %get3A_345 = arith.constant 2 : i32
        %get3A_346 = arith.constant 5 : i32
        %get3A_347 = arith.index_cast %get3A_345 : i32 to index
        %get3A_348 = arith.index_cast %get3A_346 : i32 to index
        %get3A_349 = arith.index_cast %mul3A_344 : i32 to index
        %get3A_350 = tpu.vector_load %arg4[%get3A_347, %get3A_348, %get3A_349] {strides = array<i32>} : memref<3x8x1024xf32, #tpu.memory_space<vmem>>, vector<16xf32>,
        %mul3A_351 = vector.broadcast %convert_element_type3A : f32 to vector<16xf32>
        %mul3A_352 = arith.mulf %get3A_334, %mul3A_351 : vector<16xf32>
        %add3A_353 = arith.addf %mul3A_352, %get3A_350 : vector<16xf32>
        %neg3A_354 = arith.constant 0.000000e+00 : f32
        %neg3A_355 = vector.broadcast %neg3A_354 : f32 to vector<16xf32>
        %neg3A_356 = arith.subf %neg3A_355, %add3A_353 : vector<16xf32>
        %div3A_357 = arith.divf %neg3A_356, %get3A_342 : vector<16xf32>
        %ge3A_358 = arith.constant 1.000000e+00 : f32
        %ge3A_359 = vector.broadcast %ge3A_358 : f32 to vector<16xf32>
        %ge3A_360 = arith.cmpf oge, %div3A_357, %ge3A_359 : vector<16xf32>
        %lt3A_361 = arith.constant 6.300000e+01 : f32
        %lt3A_362 = vector.broadcast %lt3A_361 : f32 to vector<16xf32>
        %lt3A_363 = arith.cmpf olt, %div3A_357, %lt3A_362 : vector<16xf32>
        %and3A_364 = arith.andi %ge3A_360, %lt3A_363 : vector<16xi1>
        %jit3A_365 = arith.constant 1.000000e+00 : f32
        %broadcast_in_dim3A_366 = vector.broadcast %jit3A_365 : f32 to vector<16xf32>
        %select_n3A_367 = arith.select %and3A_364, %div3A_357, %broadcast_in_dim3A_366 : vector<16xi1>, vector<16xf32>
        %convert_element_type3A_368 = arith.fptosi %select_n3A_367 : vector<16xf32> to vector<16xi32>
        %mul3A_369 = arith.constant 1024 : i32
        %mul3A_370 = vector.broadcast %mul3A_369 : i32 to vector<16xi32>
        %mul3A_371 = arith.muli %convert_element_type3A_368, %mul3A_370 : vector<16xi32>
        %add3A_372 = arith.addi %mul3A_371, %add3A_99 : vector<16xi32>
        tpu.vector_store_idx %arg5[%add3A_372], %broadcast_in_dim3A_1 masked %and3A_364 {add = true} : memref<65536xf32, #tpu.memory_space<vmem>>[vector<16xi32>], vector<16xf32>, vector<16xi1>
        %mul3A_373 = arith.constant 16 : i32
        %mul3A_374 = arith.muli %scan3A_95, %mul3A_373 : i32
        %get3A_375 = arith.constant 0 : i32
        %get3A_376 = arith.constant 6 : i32
        %get3A_377 = arith.index_cast %get3A_375 : i32 to index
        %get3A_378 = arith.index_cast %get3A_376 : i32 to index
        %get3A_379 = arith.index_cast %mul3A_374 : i32 to index
        %get3A_380 = tpu.vector_load %arg4[%get3A_377, %get3A_378, %get3A_379] {strides = array<i32>} : memref<3x8x1024xf32, #tpu.memory_space<vmem>>, vector<16xf32>,
        %mul3A_381 = arith.constant 16 : i32
        %mul3A_382 = arith.muli %scan3A_95, %mul3A_381 : i32
        %get3A_383 = arith.constant 1 : i32
        %get3A_384 = arith.constant 6 : i32
        %get3A_385 = arith.index_cast %get3A_383 : i32 to index
        %get3A_386 = arith.index_cast %get3A_384 : i32 to index
        %get3A_387 = arith.index_cast %mul3A_382 : i32 to index
        %get3A_388 = tpu.vector_load %arg4[%get3A_385, %get3A_386, %get3A_387] {strides = array<i32>} : memref<3x8x1024xf32, #tpu.memory_space<vmem>>, vector<16xf32>,
        %mul3A_389 = arith.constant 16 : i32
        %mul3A_390 = arith.muli %scan3A_95, %mul3A_389 : i32
        %get3A_391 = arith.constant 2 : i32
        %get3A_392 = arith.constant 6 : i32
        %get3A_393 = arith.index_cast %get3A_391 : i32 to index
        %get3A_394 = arith.index_cast %get3A_392 : i32 to index
        %get3A_395 = arith.index_cast %mul3A_390 : i32 to index
        %get3A_396 = tpu.vector_load %arg4[%get3A_393, %get3A_394, %get3A_395] {strides = array<i32>} : memref<3x8x1024xf32, #tpu.memory_space<vmem>>, vector<16xf32>,
        %mul3A_397 = vector.broadcast %convert_element_type3A : f32 to vector<16xf32>
        %mul3A_398 = arith.mulf %get3A_380, %mul3A_397 : vector<16xf32>
        %add3A_399 = arith.addf %mul3A_398, %get3A_396 : vector<16xf32>
        %neg3A_400 = arith.constant 0.000000e+00 : f32
        %neg3A_401 = vector.broadcast %neg3A_400 : f32 to vector<16xf32>
        %neg3A_402 = arith.subf %neg3A_401, %add3A_399 : vector<16xf32>
        %div3A_403 = arith.divf %neg3A_402, %get3A_388 : vector<16xf32>
        %ge3A_404 = arith.constant 1.000000e+00 : f32
        %ge3A_405 = vector.broadcast %ge3A_404 : f32 to vector<16xf32>
        %ge3A_406 = arith.cmpf oge, %div3A_403, %ge3A_405 : vector<16xf32>
        %lt3A_407 = arith.constant 6.300000e+01 : f32
        %lt3A_408 = vector.broadcast %lt3A_407 : f32 to vector<16xf32>
        %lt3A_409 = arith.cmpf olt, %div3A_403, %lt3A_408 : vector<16xf32>
        %and3A_410 = arith.andi %ge3A_406, %lt3A_409 : vector<16xi1>
        %jit3A_411 = arith.constant 1.000000e+00 : f32
        %broadcast_in_dim3A_412 = vector.broadcast %jit3A_411 : f32 to vector<16xf32>
        %select_n3A_413 = arith.select %and3A_410, %div3A_403, %broadcast_in_dim3A_412 : vector<16xi1>, vector<16xf32>
        %convert_element_type3A_414 = arith.fptosi %select_n3A_413 : vector<16xf32> to vector<16xi32>
        %mul3A_415 = arith.constant 1024 : i32
        %mul3A_416 = vector.broadcast %mul3A_415 : i32 to vector<16xi32>
        %mul3A_417 = arith.muli %convert_element_type3A_414, %mul3A_416 : vector<16xi32>
        %add3A_418 = arith.addi %mul3A_417, %add3A_99 : vector<16xi32>
        tpu.vector_store_idx %arg5[%add3A_418], %broadcast_in_dim3A_1 masked %and3A_410 {add = true} : memref<65536xf32, #tpu.memory_space<vmem>>[vector<16xi32>], vector<16xf32>, vector<16xi1>
        %mul3A_419 = arith.constant 16 : i32
        %mul3A_420 = arith.muli %scan3A_95, %mul3A_419 : i32
        %get3A_421 = arith.constant 0 : i32
        %get3A_422 = arith.constant 7 : i32
        %get3A_423 = arith.index_cast %get3A_421 : i32 to index
        %get3A_424 = arith.index_cast %get3A_422 : i32 to index
        %get3A_425 = arith.index_cast %mul3A_420 : i32 to index
        %get3A_426 = tpu.vector_load %arg4[%get3A_423, %get3A_424, %get3A_425] {strides = array<i32>} : memref<3x8x1024xf32, #tpu.memory_space<vmem>>, vector<16xf32>,
        %mul3A_427 = arith.constant 16 : i32
        %mul3A_428 = arith.muli %scan3A_95, %mul3A_427 : i32
        %get3A_429 = arith.constant 1 : i32
        %get3A_430 = arith.constant 7 : i32
        %get3A_431 = arith.index_cast %get3A_429 : i32 to index
        %get3A_432 = arith.index_cast %get3A_430 : i32 to index
        %get3A_433 = arith.index_cast %mul3A_428 : i32 to index
        %get3A_434 = tpu.vector_load %arg4[%get3A_431, %get3A_432, %get3A_433] {strides = array<i32>} : memref<3x8x1024xf32, #tpu.memory_space<vmem>>, vector<16xf32>,
        %mul3A_435 = arith.constant 16 : i32
        %mul3A_436 = arith.muli %scan3A_95, %mul3A_435 : i32
        %get3A_437 = arith.constant 2 : i32
        %get3A_438 = arith.constant 7 : i32
        %get3A_439 = arith.index_cast %get3A_437 : i32 to index
        %get3A_440 = arith.index_cast %get3A_438 : i32 to index
        %get3A_441 = arith.index_cast %mul3A_436 : i32 to index
        %get3A_442 = tpu.vector_load %arg4[%get3A_439, %get3A_440, %get3A_441] {strides = array<i32>} : memref<3x8x1024xf32, #tpu.memory_space<vmem>>, vector<16xf32>,
        %mul3A_443 = vector.broadcast %convert_element_type3A : f32 to vector<16xf32>
        %mul3A_444 = arith.mulf %get3A_426, %mul3A_443 : vector<16xf32>
        %add3A_445 = arith.addf %mul3A_444, %get3A_442 : vector<16xf32>
        %neg3A_446 = arith.constant 0.000000e+00 : f32
        %neg3A_447 = vector.broadcast %neg3A_446 : f32 to vector<16xf32>
        %neg3A_448 = arith.subf %neg3A_447, %add3A_445 : vector<16xf32>
        %div3A_449 = arith.divf %neg3A_448, %get3A_434 : vector<16xf32>
        %ge3A_450 = arith.constant 1.000000e+00 : f32
        %ge3A_451 = vector.broadcast %ge3A_450 : f32 to vector<16xf32>
        %ge3A_452 = arith.cmpf oge, %div3A_449, %ge3A_451 : vector<16xf32>
        %lt3A_453 = arith.constant 6.300000e+01 : f32
        %lt3A_454 = vector.broadcast %lt3A_453 : f32 to vector<16xf32>
        %lt3A_455 = arith.cmpf olt, %div3A_449, %lt3A_454 : vector<16xf32>
        %and3A_456 = arith.andi %ge3A_452, %lt3A_455 : vector<16xi1>
        %jit3A_457 = arith.constant 1.000000e+00 : f32
        %broadcast_in_dim3A_458 = vector.broadcast %jit3A_457 : f32 to vector<16xf32>
        %select_n3A_459 = arith.select %and3A_456, %div3A_449, %broadcast_in_dim3A_458 : vector<16xi1>, vector<16xf32>
        %convert_element_type3A_460 = arith.fptosi %select_n3A_459 : vector<16xf32> to vector<16xi32>
        %mul3A_461 = arith.constant 1024 : i32
        %mul3A_462 = vector.broadcast %mul3A_461 : i32 to vector<16xi32>
        %mul3A_463 = arith.muli %convert_element_type3A_460, %mul3A_462 : vector<16xi32>
        %add3A_464 = arith.addi %mul3A_463, %add3A_99 : vector<16xi32>
        tpu.vector_store_idx %arg5[%add3A_464], %broadcast_in_dim3A_1 masked %and3A_456 {add = true} : memref<65536xf32, #tpu.memory_space<vmem>>[vector<16xi32>], vector<16xf32>, vector<16xi1>
      }
      %scan3A_94 = arith.constant 64 : i32
      "tpu.region"() ({
        %run_scoped3A = tpu.sem_alloc : memref<!tpu.dma_semaphore, #tpu.memory_space<semaphore_mem>>
        %dma_start3A = arith.constant 0 : i32
        %dma_start3A_95 = tpu.memref_slice %arg3[%select_n3A, %select_n3A_66, %select_n3A_82, %dma_start3A] : memref<2x64x4x65536xf32, #tpu.memory_space<hbm>> -> memref<1x1x1x65536xf32, #tpu.memory_space<hbm>>
        %dma_start3A_96 = tpu.memref_squeeze %dma_start3A_95 : memref<1x1x1x65536xf32, #tpu.memory_space<hbm>> -> memref<65536xf32, #tpu.memory_space<hbm>>
        %dma_start3A_97 = arith.constant 0 : i32
        %dma_start3A_98 = tpu.memref_slice %arg3[%select_n3A, %select_n3A_66, %select_n3A_82, %dma_start3A_97] : memref<2x64x4x65536xf32, #tpu.memory_space<hbm>> -> memref<1x1x1x65536xf32, #tpu.memory_space<hbm>>
        %dma_start3A_99 = tpu.memref_squeeze %dma_start3A_98 : memref<1x1x1x65536xf32, #tpu.memory_space<hbm>> -> memref<65536xf32, #tpu.memory_space<hbm>>
        tpu.enqueue_dma source(%arg5 : memref<65536xf32, #tpu.memory_space<vmem>>) target(%dma_start3A_99 : memref<65536xf32, #tpu.memory_space<hbm>>) target_semaphore(%run_scoped3A : memref<!tpu.dma_semaphore, #tpu.memory_space<semaphore_mem>>)
        %dma_wait3A = arith.constant 0 : i32
        %dma_wait3A_100 = tpu.memref_slice %arg3[%select_n3A, %select_n3A_66, %select_n3A_82, %dma_wait3A] : memref<2x64x4x65536xf32, #tpu.memory_space<hbm>> -> memref<1x1x1x65536xf32, #tpu.memory_space<hbm>>
        %dma_wait3A_101 = tpu.memref_squeeze %dma_wait3A_100 : memref<1x1x1x65536xf32, #tpu.memory_space<hbm>> -> memref<65536xf32, #tpu.memory_space<hbm>>
        %dma_wait3A_102 = arith.constant 0 : i32
        %dma_wait3A_103 = tpu.memref_slice %arg3[%select_n3A, %select_n3A_66, %select_n3A_82, %dma_wait3A_102] : memref<2x64x4x65536xf32, #tpu.memory_space<hbm>> -> memref<1x1x1x65536xf32, #tpu.memory_space<hbm>>
        %dma_wait3A_104 = tpu.memref_squeeze %dma_wait3A_103 : memref<1x1x1x65536xf32, #tpu.memory_space<hbm>> -> memref<65536xf32, #tpu.memory_space<hbm>>
        tpu.wait_dma2 semaphore(%run_scoped3A : memref<!tpu.dma_semaphore, #tpu.memory_space<semaphore_mem>>) src(%arg5 : memref<65536xf32, #tpu.memory_space<vmem>>) dst(%dma_wait3A_104 : memref<65536xf32, #tpu.memory_space<hbm>>)
        tpu.yield
      }) : () -> ()
    }
    %scan3A_8 = arith.constant 16 : i32
    return
  }
}

module attributes {stable_mosaic.version = 14 : i64} {
  func.func @_tc_body(%arg0: i32, %arg1: i32, %arg2: memref<1x8x4x65536xf32, #tpu.memory_space<vmem>>, %arg3: memref<66x66x136xf32, #tpu.memory_space<vmem>>, %arg4: memref<1x3x3x136xf32, #tpu.memory_space<vmem>>, %arg5: memref<1x8x64x136xf32, #tpu.memory_space<vmem>>, %arg6: memref<64x64x136xbf16, #tpu.memory_space<vmem>>, %arg7: memref<64x64x136xbf16, #tpu.memory_space<vmem>>) attributes {dimension_semantics = [#tpu.dimension_semantics<arbitrary>, #tpu.dimension_semantics<arbitrary>], iteration_bounds = array<i64: 2, 8>, scalar_prefetch = 0 : i64, scratch_operands = 2 : i64, tpu.core_type = #tpu.core_type<tc>, window_params = [{transform_indices = @transform_0, window_bounds = array<i64: 1, 8, 4, 65536>}, {pipeline_mode = #tpu.pipeline_mode<synchronous>, transform_indices = @transform_1, window_bounds = array<i64: 66, 66, 136>}, {transform_indices = @transform_2, window_bounds = array<i64: 1, 3, 3, 136>}, {transform_indices = @transform_3, window_bounds = array<i64: 1, 8, 64, 136>}]} {
    %eq3A = arith.constant 0 : i32
    %eq3A_0 = arith.cmpi eq, %arg1, %eq3A : i32
    %convert_element_type3A = arith.extui %eq3A_0 : i1 to i32
    %cond3A = arith.constant 0 : i32
    %cond3A_1 = arith.cmpi ne, %convert_element_type3A, %cond3A : i32
    scf.if %cond3A_1 {
      %broadcast_in_dim3A_97 = arith.constant 0.000000e+00 : f32
      %broadcast_in_dim3A_98 = vector.broadcast %broadcast_in_dim3A_97 : f32 to vector<64x64x136xf32>
      %get3A_99 = arith.constant 0 : index
      %get3A_100 = arith.constant 0 : index
      %get3A_101 = arith.constant 0 : index
      %get3A_102 = arith.constant 0 : index
      %get3A_103 = vector.load %arg4[%get3A_99, %get3A_100, %get3A_101, %get3A_102] : memref<1x3x3x136xf32, #tpu.memory_space<vmem>>, vector<1x1x1x136xf32>
      %get3A_104 = vector.shape_cast %get3A_103 : vector<1x1x1x136xf32> to vector<136xf32>
      %get3A_105 = arith.constant 0 : index
      %get3A_106 = arith.constant 0 : index
      %get3A_107 = arith.constant 0 : index
      %get3A_108 = vector.load %arg3[%get3A_105, %get3A_106, %get3A_107] : memref<66x66x136xf32, #tpu.memory_space<vmem>>, vector<64x64x136xf32>
      %broadcast_in_dim3A_109 = vector.shape_cast %get3A_104 : vector<136xf32> to vector<1x1x136xf32>
      %mul3A_110 = vector.broadcast %broadcast_in_dim3A_109 : vector<1x1x136xf32> to vector<64x64x136xf32>
      %mul3A_111 = arith.mulf %get3A_108, %mul3A_110 : vector<64x64x136xf32>
      %add3A_112 = arith.addf %broadcast_in_dim3A_98, %mul3A_111 : vector<64x64x136xf32>
      %get3A_113 = arith.constant 0 : index
      %get3A_114 = arith.constant 0 : index
      %get3A_115 = arith.constant 1 : index
      %get3A_116 = arith.constant 0 : index
      %get3A_117 = vector.load %arg4[%get3A_113, %get3A_114, %get3A_115, %get3A_116] : memref<1x3x3x136xf32, #tpu.memory_space<vmem>>, vector<1x1x1x136xf32>
      %get3A_118 = vector.shape_cast %get3A_117 : vector<1x1x1x136xf32> to vector<136xf32>
      %get3A_119 = arith.constant 1 : index
      %get3A_120 = arith.constant 0 : index
      %get3A_121 = arith.constant 0 : index
      %get3A_122 = vector.load %arg3[%get3A_119, %get3A_120, %get3A_121] : memref<66x66x136xf32, #tpu.memory_space<vmem>>, vector<64x64x136xf32>
      %broadcast_in_dim3A_123 = vector.shape_cast %get3A_118 : vector<136xf32> to vector<1x1x136xf32>
      %mul3A_124 = vector.broadcast %broadcast_in_dim3A_123 : vector<1x1x136xf32> to vector<64x64x136xf32>
      %mul3A_125 = arith.mulf %get3A_122, %mul3A_124 : vector<64x64x136xf32>
      %add3A_126 = arith.addf %add3A_112, %mul3A_125 : vector<64x64x136xf32>
      %get3A_127 = arith.constant 0 : index
      %get3A_128 = arith.constant 0 : index
      %get3A_129 = arith.constant 2 : index
      %get3A_130 = arith.constant 0 : index
      %get3A_131 = vector.load %arg4[%get3A_127, %get3A_128, %get3A_129, %get3A_130] : memref<1x3x3x136xf32, #tpu.memory_space<vmem>>, vector<1x1x1x136xf32>
      %get3A_132 = vector.shape_cast %get3A_131 : vector<1x1x1x136xf32> to vector<136xf32>
      %get3A_133 = arith.constant 2 : index
      %get3A_134 = arith.constant 0 : index
      %get3A_135 = arith.constant 0 : index
      %get3A_136 = vector.load %arg3[%get3A_133, %get3A_134, %get3A_135] : memref<66x66x136xf32, #tpu.memory_space<vmem>>, vector<64x64x136xf32>
      %broadcast_in_dim3A_137 = vector.shape_cast %get3A_132 : vector<136xf32> to vector<1x1x136xf32>
      %mul3A_138 = vector.broadcast %broadcast_in_dim3A_137 : vector<1x1x136xf32> to vector<64x64x136xf32>
      %mul3A_139 = arith.mulf %get3A_136, %mul3A_138 : vector<64x64x136xf32>
      %add3A_140 = arith.addf %add3A_126, %mul3A_139 : vector<64x64x136xf32>
      %get3A_141 = arith.constant 0 : index
      %get3A_142 = arith.constant 1 : index
      %get3A_143 = arith.constant 0 : index
      %get3A_144 = arith.constant 0 : index
      %get3A_145 = vector.load %arg4[%get3A_141, %get3A_142, %get3A_143, %get3A_144] : memref<1x3x3x136xf32, #tpu.memory_space<vmem>>, vector<1x1x1x136xf32>
      %get3A_146 = vector.shape_cast %get3A_145 : vector<1x1x1x136xf32> to vector<136xf32>
      %get3A_147 = arith.constant 0 : index
      %get3A_148 = arith.constant 1 : index
      %get3A_149 = arith.constant 0 : index
      %get3A_150 = vector.load %arg3[%get3A_147, %get3A_148, %get3A_149] : memref<66x66x136xf32, #tpu.memory_space<vmem>>, vector<64x64x136xf32>
      %broadcast_in_dim3A_151 = vector.shape_cast %get3A_146 : vector<136xf32> to vector<1x1x136xf32>
      %mul3A_152 = vector.broadcast %broadcast_in_dim3A_151 : vector<1x1x136xf32> to vector<64x64x136xf32>
      %mul3A_153 = arith.mulf %get3A_150, %mul3A_152 : vector<64x64x136xf32>
      %add3A_154 = arith.addf %add3A_140, %mul3A_153 : vector<64x64x136xf32>
      %get3A_155 = arith.constant 0 : index
      %get3A_156 = arith.constant 1 : index
      %get3A_157 = arith.constant 1 : index
      %get3A_158 = arith.constant 0 : index
      %get3A_159 = vector.load %arg4[%get3A_155, %get3A_156, %get3A_157, %get3A_158] : memref<1x3x3x136xf32, #tpu.memory_space<vmem>>, vector<1x1x1x136xf32>
      %get3A_160 = vector.shape_cast %get3A_159 : vector<1x1x1x136xf32> to vector<136xf32>
      %get3A_161 = arith.constant 1 : index
      %get3A_162 = arith.constant 1 : index
      %get3A_163 = arith.constant 0 : index
      %get3A_164 = vector.load %arg3[%get3A_161, %get3A_162, %get3A_163] : memref<66x66x136xf32, #tpu.memory_space<vmem>>, vector<64x64x136xf32>
      %broadcast_in_dim3A_165 = vector.shape_cast %get3A_160 : vector<136xf32> to vector<1x1x136xf32>
      %mul3A_166 = vector.broadcast %broadcast_in_dim3A_165 : vector<1x1x136xf32> to vector<64x64x136xf32>
      %mul3A_167 = arith.mulf %get3A_164, %mul3A_166 : vector<64x64x136xf32>
      %add3A_168 = arith.addf %add3A_154, %mul3A_167 : vector<64x64x136xf32>
      %get3A_169 = arith.constant 0 : index
      %get3A_170 = arith.constant 1 : index
      %get3A_171 = arith.constant 2 : index
      %get3A_172 = arith.constant 0 : index
      %get3A_173 = vector.load %arg4[%get3A_169, %get3A_170, %get3A_171, %get3A_172] : memref<1x3x3x136xf32, #tpu.memory_space<vmem>>, vector<1x1x1x136xf32>
      %get3A_174 = vector.shape_cast %get3A_173 : vector<1x1x1x136xf32> to vector<136xf32>
      %get3A_175 = arith.constant 2 : index
      %get3A_176 = arith.constant 1 : index
      %get3A_177 = arith.constant 0 : index
      %get3A_178 = vector.load %arg3[%get3A_175, %get3A_176, %get3A_177] : memref<66x66x136xf32, #tpu.memory_space<vmem>>, vector<64x64x136xf32>
      %broadcast_in_dim3A_179 = vector.shape_cast %get3A_174 : vector<136xf32> to vector<1x1x136xf32>
      %mul3A_180 = vector.broadcast %broadcast_in_dim3A_179 : vector<1x1x136xf32> to vector<64x64x136xf32>
      %mul3A_181 = arith.mulf %get3A_178, %mul3A_180 : vector<64x64x136xf32>
      %add3A_182 = arith.addf %add3A_168, %mul3A_181 : vector<64x64x136xf32>
      %get3A_183 = arith.constant 0 : index
      %get3A_184 = arith.constant 2 : index
      %get3A_185 = arith.constant 0 : index
      %get3A_186 = arith.constant 0 : index
      %get3A_187 = vector.load %arg4[%get3A_183, %get3A_184, %get3A_185, %get3A_186] : memref<1x3x3x136xf32, #tpu.memory_space<vmem>>, vector<1x1x1x136xf32>
      %get3A_188 = vector.shape_cast %get3A_187 : vector<1x1x1x136xf32> to vector<136xf32>
      %get3A_189 = arith.constant 0 : index
      %get3A_190 = arith.constant 2 : index
      %get3A_191 = arith.constant 0 : index
      %get3A_192 = vector.load %arg3[%get3A_189, %get3A_190, %get3A_191] : memref<66x66x136xf32, #tpu.memory_space<vmem>>, vector<64x64x136xf32>
      %broadcast_in_dim3A_193 = vector.shape_cast %get3A_188 : vector<136xf32> to vector<1x1x136xf32>
      %mul3A_194 = vector.broadcast %broadcast_in_dim3A_193 : vector<1x1x136xf32> to vector<64x64x136xf32>
      %mul3A_195 = arith.mulf %get3A_192, %mul3A_194 : vector<64x64x136xf32>
      %add3A_196 = arith.addf %add3A_182, %mul3A_195 : vector<64x64x136xf32>
      %get3A_197 = arith.constant 0 : index
      %get3A_198 = arith.constant 2 : index
      %get3A_199 = arith.constant 1 : index
      %get3A_200 = arith.constant 0 : index
      %get3A_201 = vector.load %arg4[%get3A_197, %get3A_198, %get3A_199, %get3A_200] : memref<1x3x3x136xf32, #tpu.memory_space<vmem>>, vector<1x1x1x136xf32>
      %get3A_202 = vector.shape_cast %get3A_201 : vector<1x1x1x136xf32> to vector<136xf32>
      %get3A_203 = arith.constant 1 : index
      %get3A_204 = arith.constant 2 : index
      %get3A_205 = arith.constant 0 : index
      %get3A_206 = vector.load %arg3[%get3A_203, %get3A_204, %get3A_205] : memref<66x66x136xf32, #tpu.memory_space<vmem>>, vector<64x64x136xf32>
      %broadcast_in_dim3A_207 = vector.shape_cast %get3A_202 : vector<136xf32> to vector<1x1x136xf32>
      %mul3A_208 = vector.broadcast %broadcast_in_dim3A_207 : vector<1x1x136xf32> to vector<64x64x136xf32>
      %mul3A_209 = arith.mulf %get3A_206, %mul3A_208 : vector<64x64x136xf32>
      %add3A_210 = arith.addf %add3A_196, %mul3A_209 : vector<64x64x136xf32>
      %get3A_211 = arith.constant 0 : index
      %get3A_212 = arith.constant 2 : index
      %get3A_213 = arith.constant 2 : index
      %get3A_214 = arith.constant 0 : index
      %get3A_215 = vector.load %arg4[%get3A_211, %get3A_212, %get3A_213, %get3A_214] : memref<1x3x3x136xf32, #tpu.memory_space<vmem>>, vector<1x1x1x136xf32>
      %get3A_216 = vector.shape_cast %get3A_215 : vector<1x1x1x136xf32> to vector<136xf32>
      %get3A_217 = arith.constant 2 : index
      %get3A_218 = arith.constant 2 : index
      %get3A_219 = arith.constant 0 : index
      %get3A_220 = vector.load %arg3[%get3A_217, %get3A_218, %get3A_219] : memref<66x66x136xf32, #tpu.memory_space<vmem>>, vector<64x64x136xf32>
      %broadcast_in_dim3A_221 = vector.shape_cast %get3A_216 : vector<136xf32> to vector<1x1x136xf32>
      %mul3A_222 = vector.broadcast %broadcast_in_dim3A_221 : vector<1x1x136xf32> to vector<64x64x136xf32>
      %mul3A_223 = arith.mulf %get3A_220, %mul3A_222 : vector<64x64x136xf32>
      %add3A_224 = arith.addf %add3A_210, %mul3A_223 : vector<64x64x136xf32>
      %convert_element_type3A_225 = arith.truncf %add3A_224 : vector<64x64x136xf32> to vector<64x64x136xbf16>
      %swap3A_226 = arith.constant 0 : index
      %swap3A_227 = arith.constant 0 : index
      %swap3A_228 = arith.constant 0 : index
      %swap3A_229 = vector.load %arg6[%swap3A_226, %swap3A_227, %swap3A_228] : memref<64x64x136xbf16, #tpu.memory_space<vmem>>, vector<64x64x136xbf16>
      tpu.vector_store %arg6[%swap3A_226, %swap3A_227, %swap3A_228], %convert_element_type3A_225 {strides = array<i32>} : memref<64x64x136xbf16, #tpu.memory_space<vmem>>, vector<64x64x136xbf16>,
      %convert_element_type3A_230 = arith.extf %convert_element_type3A_225 : vector<64x64x136xbf16> to vector<64x64x136xf32>
      %sub3A = arith.subf %add3A_224, %convert_element_type3A_230 : vector<64x64x136xf32>
      %convert_element_type3A_231 = arith.truncf %sub3A : vector<64x64x136xf32> to vector<64x64x136xbf16>
      %swap3A_232 = arith.constant 0 : index
      %swap3A_233 = arith.constant 0 : index
      %swap3A_234 = arith.constant 0 : index
      %swap3A_235 = vector.load %arg7[%swap3A_232, %swap3A_233, %swap3A_234] : memref<64x64x136xbf16, #tpu.memory_space<vmem>>, vector<64x64x136xbf16>
      tpu.vector_store %arg7[%swap3A_232, %swap3A_233, %swap3A_234], %convert_element_type3A_231 {strides = array<i32>} : memref<64x64x136xbf16, #tpu.memory_space<vmem>>, vector<64x64x136xbf16>,
    } else {
    }
    %get3A = arith.constant 0 : index
    %get3A_2 = arith.constant 0 : index
    %get3A_3 = arith.constant 0 : index
    %get3A_4 = vector.load %arg6[%get3A, %get3A_2, %get3A_3] : memref<64x64x136xbf16, #tpu.memory_space<vmem>>, vector<64x64x136xbf16>
    %reshape3A = vector.shape_cast %get3A_4 : vector<64x64x136xbf16> to vector<4096x136xbf16>
    %get3A_5 = arith.constant 0 : index
    %get3A_6 = arith.constant 0 : index
    %get3A_7 = arith.constant 0 : index
    %get3A_8 = vector.load %arg7[%get3A_5, %get3A_6, %get3A_7] : memref<64x64x136xbf16, #tpu.memory_space<vmem>>, vector<64x64x136xbf16>
    %reshape3A_9 = vector.shape_cast %get3A_8 : vector<64x64x136xbf16> to vector<4096x136xbf16>
    %broadcast_in_dim3A = arith.constant 0.000000e+00 : f32
    %broadcast_in_dim3A_10 = vector.broadcast %broadcast_in_dim3A : f32 to vector<512x136xf32>
    %get3A_11 = arith.constant 0 : index
    %get3A_12 = arith.constant 0 : index
    %get3A_13 = arith.constant 0 : index
    %get3A_14 = arith.constant 0 : index
    %get3A_15 = vector.load %arg2[%get3A_11, %get3A_12, %get3A_13, %get3A_14] : memref<1x8x4x65536xf32, #tpu.memory_space<vmem>>, vector<1x8x1x65536xf32>
    %get3A_16 = vector.shape_cast %get3A_15 : vector<1x8x1x65536xf32> to vector<8x65536xf32>
    %reshape3A_17 = vector.shape_cast %get3A_16 : vector<8x65536xf32> to vector<512x1024xf32>
    %convert_element_type3A_18 = arith.truncf %reshape3A_17 : vector<512x1024xf32> to vector<512x1024xbf16>
    %slice3A = vector.extract_strided_slice %reshape3A {offsets = [0, 0], sizes = [1024, 136], strides = [1, 1]} : vector<4096x136xbf16> to vector<1024x136xbf16>
    %slice3A_19 = vector.extract_strided_slice %reshape3A_9 {offsets = [0, 0], sizes = [1024, 136], strides = [1, 1]} : vector<4096x136xbf16> to vector<1024x136xbf16>
    %dot_general3A = arith.constant dense<0.000000e+00> : vector<512x136xf32>
    %dot_general3A_20 = tpu.matmul %convert_element_type3A_18, %slice3A, %dot_general3A {dimension_numbers = #tpu.dot_dimension_numbers<[1], [0], [0], [1], [0, 0, 1, 1], [], []>, transpose_lhs_hint = false} : vector<512x1024xbf16>, vector<1024x136xbf16>, vector<512x136xf32> -> vector<512x136xf32>
    %add3A = arith.addf %broadcast_in_dim3A_10, %dot_general3A_20 : vector<512x136xf32>
    %dot_general3A_21 = arith.constant dense<0.000000e+00> : vector<512x136xf32>
    %dot_general3A_22 = tpu.matmul %convert_element_type3A_18, %slice3A_19, %dot_general3A_21 {dimension_numbers = #tpu.dot_dimension_numbers<[1], [0], [0], [1], [0, 0, 1, 1], [], []>, transpose_lhs_hint = false} : vector<512x1024xbf16>, vector<1024x136xbf16>, vector<512x136xf32> -> vector<512x136xf32>
    %add3A_23 = arith.addf %add3A, %dot_general3A_22 : vector<512x136xf32>
    %get3A_24 = arith.constant 0 : index
    %get3A_25 = arith.constant 0 : index
    %get3A_26 = arith.constant 1 : index
    %get3A_27 = arith.constant 0 : index
    %get3A_28 = vector.load %arg2[%get3A_24, %get3A_25, %get3A_26, %get3A_27] : memref<1x8x4x65536xf32, #tpu.memory_space<vmem>>, vector<1x8x1x65536xf32>
    %get3A_29 = vector.shape_cast %get3A_28 : vector<1x8x1x65536xf32> to vector<8x65536xf32>
    %reshape3A_30 = vector.shape_cast %get3A_29 : vector<8x65536xf32> to vector<512x1024xf32>
    %convert_element_type3A_31 = arith.truncf %reshape3A_30 : vector<512x1024xf32> to vector<512x1024xbf16>
    %slice3A_32 = vector.extract_strided_slice %reshape3A {offsets = [1024, 0], sizes = [1024, 136], strides = [1, 1]} : vector<4096x136xbf16> to vector<1024x136xbf16>
    %slice3A_33 = vector.extract_strided_slice %reshape3A_9 {offsets = [1024, 0], sizes = [1024, 136], strides = [1, 1]} : vector<4096x136xbf16> to vector<1024x136xbf16>
    %dot_general3A_34 = arith.constant dense<0.000000e+00> : vector<512x136xf32>
    %dot_general3A_35 = tpu.matmul %convert_element_type3A_31, %slice3A_32, %dot_general3A_34 {dimension_numbers = #tpu.dot_dimension_numbers<[1], [0], [0], [1], [0, 0, 1, 1], [], []>, transpose_lhs_hint = false} : vector<512x1024xbf16>, vector<1024x136xbf16>, vector<512x136xf32> -> vector<512x136xf32>
    %add3A_36 = arith.addf %add3A_23, %dot_general3A_35 : vector<512x136xf32>
    %dot_general3A_37 = arith.constant dense<0.000000e+00> : vector<512x136xf32>
    %dot_general3A_38 = tpu.matmul %convert_element_type3A_31, %slice3A_33, %dot_general3A_37 {dimension_numbers = #tpu.dot_dimension_numbers<[1], [0], [0], [1], [0, 0, 1, 1], [], []>, transpose_lhs_hint = false} : vector<512x1024xbf16>, vector<1024x136xbf16>, vector<512x136xf32> -> vector<512x136xf32>
    %add3A_39 = arith.addf %add3A_36, %dot_general3A_38 : vector<512x136xf32>
    %get3A_40 = arith.constant 0 : index
    %get3A_41 = arith.constant 0 : index
    %get3A_42 = arith.constant 2 : index
    %get3A_43 = arith.constant 0 : index
    %get3A_44 = vector.load %arg2[%get3A_40, %get3A_41, %get3A_42, %get3A_43] : memref<1x8x4x65536xf32, #tpu.memory_space<vmem>>, vector<1x8x1x65536xf32>
    %get3A_45 = vector.shape_cast %get3A_44 : vector<1x8x1x65536xf32> to vector<8x65536xf32>
    %reshape3A_46 = vector.shape_cast %get3A_45 : vector<8x65536xf32> to vector<512x1024xf32>
    %convert_element_type3A_47 = arith.truncf %reshape3A_46 : vector<512x1024xf32> to vector<512x1024xbf16>
    %slice3A_48 = vector.extract_strided_slice %reshape3A {offsets = [2048, 0], sizes = [1024, 136], strides = [1, 1]} : vector<4096x136xbf16> to vector<1024x136xbf16>
    %slice3A_49 = vector.extract_strided_slice %reshape3A_9 {offsets = [2048, 0], sizes = [1024, 136], strides = [1, 1]} : vector<4096x136xbf16> to vector<1024x136xbf16>
    %dot_general3A_50 = arith.constant dense<0.000000e+00> : vector<512x136xf32>
    %dot_general3A_51 = tpu.matmul %convert_element_type3A_47, %slice3A_48, %dot_general3A_50 {dimension_numbers = #tpu.dot_dimension_numbers<[1], [0], [0], [1], [0, 0, 1, 1], [], []>, transpose_lhs_hint = false} : vector<512x1024xbf16>, vector<1024x136xbf16>, vector<512x136xf32> -> vector<512x136xf32>
    %add3A_52 = arith.addf %add3A_39, %dot_general3A_51 : vector<512x136xf32>
    %dot_general3A_53 = arith.constant dense<0.000000e+00> : vector<512x136xf32>
    %dot_general3A_54 = tpu.matmul %convert_element_type3A_47, %slice3A_49, %dot_general3A_53 {dimension_numbers = #tpu.dot_dimension_numbers<[1], [0], [0], [1], [0, 0, 1, 1], [], []>, transpose_lhs_hint = false} : vector<512x1024xbf16>, vector<1024x136xbf16>, vector<512x136xf32> -> vector<512x136xf32>
    %add3A_55 = arith.addf %add3A_52, %dot_general3A_54 : vector<512x136xf32>
    %get3A_56 = arith.constant 0 : index
    %get3A_57 = arith.constant 0 : index
    %get3A_58 = arith.constant 3 : index
    %get3A_59 = arith.constant 0 : index
    %get3A_60 = vector.load %arg2[%get3A_56, %get3A_57, %get3A_58, %get3A_59] : memref<1x8x4x65536xf32, #tpu.memory_space<vmem>>, vector<1x8x1x65536xf32>
    %get3A_61 = vector.shape_cast %get3A_60 : vector<1x8x1x65536xf32> to vector<8x65536xf32>
    %reshape3A_62 = vector.shape_cast %get3A_61 : vector<8x65536xf32> to vector<512x1024xf32>
    %convert_element_type3A_63 = arith.truncf %reshape3A_62 : vector<512x1024xf32> to vector<512x1024xbf16>
    %slice3A_64 = vector.extract_strided_slice %reshape3A {offsets = [3072, 0], sizes = [1024, 136], strides = [1, 1]} : vector<4096x136xbf16> to vector<1024x136xbf16>
    %slice3A_65 = vector.extract_strided_slice %reshape3A_9 {offsets = [3072, 0], sizes = [1024, 136], strides = [1, 1]} : vector<4096x136xbf16> to vector<1024x136xbf16>
    %dot_general3A_66 = arith.constant dense<0.000000e+00> : vector<512x136xf32>
    %dot_general3A_67 = tpu.matmul %convert_element_type3A_63, %slice3A_64, %dot_general3A_66 {dimension_numbers = #tpu.dot_dimension_numbers<[1], [0], [0], [1], [0, 0, 1, 1], [], []>, transpose_lhs_hint = false} : vector<512x1024xbf16>, vector<1024x136xbf16>, vector<512x136xf32> -> vector<512x136xf32>
    %add3A_68 = arith.addf %add3A_55, %dot_general3A_67 : vector<512x136xf32>
    %dot_general3A_69 = arith.constant dense<0.000000e+00> : vector<512x136xf32>
    %dot_general3A_70 = tpu.matmul %convert_element_type3A_63, %slice3A_65, %dot_general3A_69 {dimension_numbers = #tpu.dot_dimension_numbers<[1], [0], [0], [1], [0, 0, 1, 1], [], []>, transpose_lhs_hint = false} : vector<512x1024xbf16>, vector<1024x136xbf16>, vector<512x136xf32> -> vector<512x136xf32>
    %add3A_71 = arith.addf %add3A_68, %dot_general3A_70 : vector<512x136xf32>
    %neg3A = arith.constant 0.000000e+00 : f32
    %neg3A_72 = vector.broadcast %neg3A : f32 to vector<512x136xf32>
    %neg3A_73 = arith.subf %neg3A_72, %add3A_71 : vector<512x136xf32>
    %exp3A = math.exp %neg3A_73 : vector<512x136xf32>
    %add3A_74 = arith.constant 1.000000e+00 : f32
    %add3A_75 = vector.broadcast %add3A_74 : f32 to vector<512x136xf32>
    %add3A_76 = arith.addf %add3A_75, %exp3A : vector<512x136xf32>
    %div3A = arith.constant 1.000000e+00 : f32
    %div3A_77 = vector.broadcast %div3A : f32 to vector<512x136xf32>
    %div3A_78 = arith.divf %div3A_77, %add3A_76 : vector<512x136xf32>
    %mul3A = arith.constant 8 : i32
    %mul3A_79 = arith.muli %arg1, %mul3A : i32
    %add3A_80 = arith.constant 1 : i32
    %add3A_81 = arith.addi %mul3A_79, %add3A_80 : i32
    %get3A_82 = arith.index_cast %add3A_81 : i32 to index
    %get3A_83 = arith.constant 1 : index
    %get3A_84 = arith.constant 0 : index
    %get3A_85 = vector.load %arg3[%get3A_82, %get3A_83, %get3A_84] : memref<66x66x136xf32, #tpu.memory_space<vmem>>, vector<8x64x136xf32>
    %reshape3A_86 = vector.shape_cast %div3A_78 : vector<512x136xf32> to vector<8x64x136xf32>
    %add3A_87 = arith.addf %get3A_85, %reshape3A_86 : vector<8x64x136xf32>
    %mul3A_88 = arith.constant 5.000000e-01 : f32
    %mul3A_89 = vector.broadcast %mul3A_88 : f32 to vector<8x64x136xf32>
    %mul3A_90 = arith.mulf %add3A_87, %mul3A_89 : vector<8x64x136xf32>
    %swap3A = arith.constant 0 : index
    %swap3A_91 = arith.constant 0 : index
    %swap3A_92 = arith.constant 0 : index
    %swap3A_93 = arith.constant 0 : index
    %swap3A_94 = vector.load %arg5[%swap3A, %swap3A_91, %swap3A_92, %swap3A_93] : memref<1x8x64x136xf32, #tpu.memory_space<vmem>>, vector<1x8x64x136xf32>
    %swap3A_95 = vector.shape_cast %swap3A_94 : vector<1x8x64x136xf32> to vector<8x64x136xf32>
    %swap3A_96 = vector.shape_cast %mul3A_90 : vector<8x64x136xf32> to vector<1x8x64x136xf32>
    tpu.vector_store %arg5[%swap3A, %swap3A_91, %swap3A_92, %swap3A_93], %swap3A_96 {strides = array<i32>} : memref<1x8x64x136xf32, #tpu.memory_space<vmem>>, vector<1x8x64x136xf32>,
    return
  }
  func.func @transform_0(%arg0: i32, %arg1: i32) -> (i32, i32, i32, i32) {
    %c0_i32 = arith.constant 0 : i32
    %c0_i32_0 = arith.constant 0 : i32
    %c0_i32_1 = arith.constant 0 : i32
    return %arg0, %arg1, %c0_i32, %c0_i32_0 : i32, i32, i32, i32
  }
  func.func @transform_1(%arg0: i32, %arg1: i32) -> (i32, i32, i32) {
    %c0_i32 = arith.constant 0 : i32
    %c0_i32_0 = arith.constant 0 : i32
    %c0_i32_1 = arith.constant 0 : i32
    %c0_i32_2 = arith.constant 0 : i32
    return %c0_i32, %c0_i32_0, %c0_i32_1 : i32, i32, i32
  }
  func.func @transform_2(%arg0: i32, %arg1: i32) -> (i32, i32, i32, i32) {
    %c0_i32 = arith.constant 0 : i32
    %c0_i32_0 = arith.constant 0 : i32
    %c0_i32_1 = arith.constant 0 : i32
    %c0_i32_2 = arith.constant 0 : i32
    return %arg0, %c0_i32, %c0_i32_0, %c0_i32_1 : i32, i32, i32, i32
  }
  func.func @transform_3(%arg0: i32, %arg1: i32) -> (i32, i32, i32, i32) {
    %c0_i32 = arith.constant 0 : i32
    %c0_i32_0 = arith.constant 0 : i32
    %c0_i32_1 = arith.constant 0 : i32
    return %arg0, %arg1, %c0_i32, %c0_i32_0 : i32, i32, i32, i32
  }
}

</mosaic_0001>

<sc_bundles>
// kernel: kernel.4.cloned.1.call-start
scs
__scs_entry_jumppad:
0x0: {  	(pc) =	sbr.rel $0x88, $3  }
0x1: {  	(tag) =	ssettag $0x0;
	lr =	simm.s32 $0x1  }
0x2: {  	[smem:$0x3F9C] =	sst lr;
	_ =	strace $0xD0000000  }
0x3: {  	_ = 	snop  }
0x4: {  	_ = 	snop  }
0x5: {  	_ = 	snop  }
0x6: {  	_ = 	snop  }
0x7: {  	_ = 	snop  }
__scs_overlays_trampoline_lowered:
0x8: {  	[smem:$0x3FAB] =	sst s0  }
0x9: {  	[smem:$0x3FAC] =	sst s1  }
0xa: {  	[smem:$0x3FAD] =	sst s2  }
0xb: {  	[smem:$0x3FAE] =	sst s3  }
0xc: {  	[smem:$0x3FAF] =	sst s4  }
0xd: {  	[smem:$0x3FB0] =	sst s5  }
0xe: {  	[smem:$0x3FB1] =	sst s6  }
0xf: {  	[smem:$0x3FB2] =	sst s7  }
0x10: {  	[smem:$0x3FB3] =	sst s8  }
0x11: {  	[smem:$0x3FB4] =	sst s9;
	s0 =	simm.s32 @!p0 $0x0  }
0x12: {  	s1 =	sld [smem:$0x3F9A];
	s0 =	simm.s32 @p0 $0x1  }
0x13: {  	[smem:$0x3FB5] =	sst s0;
	s0 =	simm.s32 @!p1 $0x0  }
0x14: {  	s2 =	sld [smem:$0x3F99];
	s0 =	simm.s32 @p1 $0x1  }
0x15: {  	[smem:$0x3FB6] =	sst s0;
	s0 =	simm.s32 @!p2 $0x0  }
0x16: {  	s3 =	sld [smem:$0x3FDB];
	s0 =	simm.s32 @p2 $0x1  }
0x17: {  	s4 =	simm.s32 $0x1BF5;
	[smem:$0x3FB8] =	sst s0  }
0x18: {  	s0 =	sld [smem:$0x3F9B];
	_ =	swait.ge [sflag:s4], $0x0  }
0x19: {  	s7 =	sld [smem:$0x3F9C]  }
0x1a: {  	s8 =	sadd.s32 $0xFFFFE003, lr  }
0x1b: {  	s9 =	sadd.s32 $0xFFFFFEF7, lr;
	s5 =	simm.s32 $0xFFFFFFFF;
	p2 =	slt.u32 s8, $0xFFFFF086  }
0x1c: {  	p1 =	slt.u32 s9, $0xF7A;
	s5 =	simm.s32 @!p2 $0x0  }
0x1d: {  	s5 =	simm.s32 @p1 $0x1;
	p0 =	seq.s32 s7, s2  }
0x1e: {  	s7 =	smul.u32 @!p0 $0xF7A, s2;
	p2 =	seq.s32 @!p0 s5, $0x0  }
0x1f: {  	s9 =	smul.u32 $0xF7A, s1;
	s8 =	simm.s32 @!p0 $0x1BF5;
	p2 =	por !p2, p0  }
0x20: {  	[sflag:s8] =	ssyncset.s32 @!p0 $0xFFFFF086;
	s6 =	sadd.s32 @!p0 s3, s7;
	s7 =	simm.s32 @!p0 $0x108  }
0x21: {  	s3 =	sadd.s32 s3, s9;
	s6 =	sadd.s32 @!p0 $0x88, s6;
	s7 =	simm.s32 @p2 $0x1082  }
0x22: {  	[simem:s7], [sflag:s8] =	dma.local @!p0 [hbm:s6], $0xF7A  }
0x23: {  	s9 =	sor.u32 $0xD0000000, s2;
	s6 =	simm.s32 $0x108;
	_ =	swait.ge @!p0 [sflag:s8], $0x0  }
0x24: {  	s3 =	sadd.s32 $0x88, s3;
	s6 =	simm.s32 @!p1 $0x1082;
	[sflag:s4] =	ssyncset.s32 $0xFFFFF086  }
0x25: {  	[simem:s6], [sflag:s4] =	dma.local [hbm:s3], $0xF7A  }
0x26: {  	[smem:$0x3F9C] =	sst s1;
	(tag) =	ssettag s2;
	_ =	strace s9  }
0x27: {  	s1 =	sld [smem:$0x3FAC]  }
0x28: {  	s2 =	sld [smem:$0x3FAD]  }
0x29: {  	s4 =	sld [smem:$0x3FAF]  }
0x2a: {  	p0 =	seq.s32 s5, $0x0;
	s5 =	sld [smem:$0x3FB0]  }
0x2b: {  	s6 =	sld [smem:$0x3FB1]  }
0x2c: {  	s7 =	sld [smem:$0x3FB2]  }
0x2d: {  	s3 =	simm.s32 $0x108;
	s8 =	sld [smem:$0x3FB3]  }
0x2e: {  	s3 =	simm.s32 @!p0 $0x1082;
	s9 =	sld [smem:$0x3FB4]  }
0x2f: {  	lr =	sadd.s32 s0, s3;
	s0 =	sld [smem:$0x3FAB]  }
0x30: {  	s3 =	sld [smem:$0x3FAE]  }
0x31: {  	[smem:$0x3FB7] =	sst s10  }
0x32: {  	s10 =	sld [smem:$0x3FB5];
	_ =	sdelay $0x3  }
0x33: {  	p0 =	seq.s32 s10, $0x1;
	s10 =	sld [smem:$0x3FB7];
	_ =	sdelay $0x3  }
0x34: {  	[smem:$0x3FB7] =	sst s10  }
0x35: {  	s10 =	sld [smem:$0x3FB6];
	_ =	sdelay $0x3  }
0x36: {  	p1 =	seq.s32 s10, $0x1;
	s10 =	sld [smem:$0x3FB7];
	_ =	sdelay $0x3  }
0x37: {  	[smem:$0x3FB7] =	sst s10  }
0x38: {  	s10 =	sld [smem:$0x3FB8]  }
0x39: {  	_ = 	snop;
	(pc) =	sbr.ind lr, $3  }
0x3a: {  	_ = 	snop  }
0x3b: {  	_ = 	snop  }
0x3c: {  	p2 =	seq.s32 s10, $0x1;
	s10 =	sld [smem:$0x3FB7]  }
0x3d: {  	_ =	shalt  }
0x3e: {  	_ =	shalt  }
0x3f: {  	_ =	shalt  }
0x40: {  	_ =	shalt  }
0x41: {  	_ =	shalt  }
0x42: {  	_ =	shalt  }
0x43: {  	_ =	shalt  }
0x44: {  	_ =	shalt  }
0x45: {  	_ =	shalt  }
0x46: {  	_ =	shalt  }
0x47: {  	_ =	shalt  }
0x48: {  	_ =	shalt  }
0x49: {  	_ =	shalt  }
0x4a: {  	_ =	shalt  }
0x4b: {  	_ =	shalt  }
0x4c: {  	_ =	shalt  }
0x4d: {  	_ =	shalt  }
0x4e: {  	_ =	shalt  }
0x4f: {  	_ =	shalt  }
0x50: {  	_ =	shalt  }
0x51: {  	_ =	shalt  }
0x52: {  	_ =	shalt  }
0x53: {  	_ =	shalt  }
0x54: {  	_ =	shalt  }
0x55: {  	_ =	shalt  }
0x56: {  	_ =	shalt  }
0x57: {  	_ =	shalt  }
0x58: {  	_ =	shalt  }
0x59: {  	_ =	shalt  }
0x5a: {  	_ =	shalt  }
0x5b: {  	_ =	shalt  }
0x5c: {  	_ =	shalt  }
0x5d: {  	_ =	shalt  }
0x5e: {  	_ =	shalt  }
0x5f: {  	_ =	shalt  }
0x60: {  	_ =	shalt  }
0x61: {  	_ =	shalt  }
0x62: {  	_ =	shalt  }
0x63: {  	_ =	shalt  }
0x64: {  	_ =	shalt  }
0x65: {  	_ =	shalt  }
0x66: {  	_ =	shalt  }
0x67: {  	_ =	shalt  }
0x68: {  	_ =	shalt  }
0x69: {  	_ =	shalt  }
0x6a: {  	_ =	shalt  }
0x6b: {  	_ =	shalt  }
0x6c: {  	_ =	shalt  }
0x6d: {  	_ =	shalt  }
0x6e: {  	_ =	shalt  }
0x6f: {  	_ =	shalt  }
0x70: {  	_ =	shalt  }
0x71: {  	_ =	shalt  }
0x72: {  	_ =	shalt  }
0x73: {  	_ =	shalt  }
0x74: {  	_ =	shalt  }
0x75: {  	_ =	shalt  }
0x76: {  	_ =	shalt  }
0x77: {  	_ =	shalt  }
0x78: {  	_ =	shalt  }
0x79: {  	_ =	shalt  }
0x7a: {  	_ =	shalt  }
0x7b: {  	_ =	shalt  }
0x7c: {  	_ =	shalt  }
0x7d: {  	_ =	shalt  }
0x7e: {  	_ =	shalt  }
0x7f: {  	_ =	shalt  }
0x80: {  	_ =	shalt  }
0x81: {  	_ =	shalt  }
0x82: {  	_ =	shalt  }
0x83: {  	_ =	shalt  }
0x84: {  	_ =	shalt  }
0x85: {  	_ =	shalt  }
0x86: {  	_ =	shalt  }
0x87: {  	_ =	shalt  }
.Lfunc_end0:
.L_simem_size_0:
called_computation_lowered:
.L_overlay_start_0:
0x88: {  	s2 =	sld [smem:$0x3FD9]  }
0x89: {  	s3 =	sld [smem:$0x3FFE];
	_ =	sdelay $0x1  }
0x8a: {  	s1 =	srdreg.scid  }
0x8b: {  	s0 =	sand.u32 $0x1, s1  }
0x8c: {  	s14 =	sshll.u32 s0, $0xA;
	s2 =	sadd.s32 s3, s2  }
0x8d: {  	s2 =	sadd.s32 s2, s14  }
0x8e: {  	[smem:$0x3FC3] =	sst s2  }
0x8f: {  	_ = 	snop  }
0x90: {  	s2 =	sld [smem:$0x3FD0];
	_ =	sdelay $0x2  }
0x91: {  	s15 =	simm.s32 $0xA;
	s4 =	simm.s32 $0x10  }
0x92: {  	[smem:s4], [sflag:s15] =	dma.local [hbm:s2], $0x1  }
0x93: {  	_ =	swait.eq [sflag:s15], $0x1  }
0x94: {  	[sflag:s15] =	ssyncset.done $0x0  }
0x95: {  	[sflag:s15] =	ssyncadd.s32 $0xFFFFFFFF  }
0x96: {  	s16 =	sld [smem:$0x13];
	(tm) =	ssettm $0x1  }
0x97: {  	s17 =	sld [smem:$0x3FFB];
	_ =	sdelay $0x3  }
0x98: {  	_ =	strace s17  }
0x99: {  	s3 =	sld [smem:$0x3FFC];
	_ =	sdelay $0x3  }
0x9a: {  	_ =	strace s3  }
0x9b: {  	s3 =	sld [smem:$0x3FFD];
	_ =	sdelay $0x3  }
0x9c: {  	_ =	strace s3  }
0x9d: {  	_ =	strace $0x8FFFFFFF  }
0x9e: {  	s18 =	sld [smem:$0x3FDB];
	_ =	sdelay $0x1  }
0x9f: {  	s19 =	simm.s32 $_scs_section_size  }
0xa0: {  	s5 =	simm.s32 $_size__tile_overlayer_lowered;
	s6 =	simm.s32 $_tile_overlayer_lowered  }
0xa1: {  	s22 =	simm.s32 $0x1BFF;
	s21 =	sshll.u32 s6, $0x1;
	s3 =	sadd.s32 s19, s18  }
0xa2: {  	s7 =	simm.s32 $0x0;
	s20 =	sshll.u32 s5, $0x1;
	s5 =	sadd.s32 s21, s3  }
0xa3: {  	[timem:s7], [sflag:s22] =	dma.local [hbm:s5], s20  }
0xa4: {  	_ =	swait.ge [sflag:s22], s20  }
0xa5: {  	s4 =	ssub.s32 $0x0, s20;
	[sflag:s22] =	ssyncset.done $0x0  }
0xa6: {  	[sflag:s22] =	ssyncadd.s32 s4;
	_ =	sdelay $0x1  }
0xa7: {  	s23 =	simm.s32 $0x1B8B  }
0xa8: {  	_ =	swait.ge [sflag:s23], $0x1  }
0xa9: {  	[sflag:s23] =	ssyncset.done $0x0  }
0xaa: {  	s25 =	simm.s32 $0x1B8E;
	s24 =	sld [smem:$0x3FFE];
	[sflag:s23] =	ssyncadd.s32 $0xFFFFFFFF  }
0xab: {  	s26 =	simm.s32 $execute0_lowered;
	[smem:$0x3FD2] =	sst s25  }
0xac: {  	s5 =	sshll.u32 s26, $0x1;
	_ =	strace $0x80000046;
	[dreg:$0x1] =	wrdreg $0xFFFFFFFF  }
0xad: {  	s28 =	simm.s32 $_size_execute0_lowered;
	s3 =	sadd.s32 s3, s5;
	[dreg:$0x0] =	wrdreg $0x0  }
0xae: {  	s5 =	sshll.u32 s28, $0x1;
	[dreg:$0x2] =	wrdreg s3  }
0xaf: {  	[dreg:$0x3] =	wrdreg s5  }
0xb0: {  	[dreg:$0x4] =	wrdreg $0xC0  }
0xb1: {  	_ =	task [dreg:s7], $0x5FFFF  }
0xb2: {  	[dreg:$0x1] =	wrdreg $0xFFFFFFFF  }
0xb3: {  	[dreg:$0x0] =	wrdreg $0x60  }
0xb4: {  	[dreg:$0x2] =	wrdreg s16  }
0xb5: {  	[dreg:$0x3] =	wrdreg s24  }
0xb6: {  	[dreg:$0x4] =	wrdreg $0x9  }
0xb7: {  	_ =	task.clear_ibuf [dreg:s7], $0x5FFFF;
	_ =	strace $0x90000046  }
0xb8: {  	s29 =	simm.s32 $0x9;
	_ =	strace $0x80000048  }
0xb9: {  	_ =	swait.ge [sflag:s29], $0x1  }
0xba: {  	[sflag:s29] =	ssyncadd.s32 $0xFFFFFFFF  }
0xbb: {  	_ =	strace $0x90000048  }
0xbc: {  	_ =	sfence  }
0xbd: {  	s30 =	sld [smem:$0x0];
	_ =	sdelay $0x2  }
0xbe: {  	s31 =	sshll.u32 s1, $0xD;
	s1 =	sshrl.u32 s1, $0x2  }
0xbf: {  	s3 =	sand.u32 $0x4000, s31;
	s1 =	sadd.s32 s1, s30  }
0xc0: {  	s0 =	sor.u32 s3, s0;
	s1 =	sshll.u32 s1, $0x11  }
0xc1: {  	s0 =	sor.u32 s1, s0  }
0xc2: {  	s0 =	sadd.s32 $0x8F2B, s0  }
0xc3: {  	[sflag:s0] =	ssyncadd.remote.s32 $0x1  }
0xc4: {  	_ =	sfence.sel $0xFFFF  }
0xc5: {  	[dreg:$0x0] =	wrdreg $0xFFFFFFFF;
	(pc) =	sbr.abs _section_cstart, $3  }
0xc6: {  	[dreg:$0x1] =	wrdreg $0xFFFFFFFF  }
0xc7: {  	_ =	task.clear_ibuf [dreg:s7], $0x2FFFF;
	_ =	strace $0x9FFFFFFF  }
0xc8: {  	(tm) =	ssettm $0x7FFFFFFF  }
0xc9: {  	_ =	shalt  }
tec
execute0_lowered:
.L_overlay_start_1:
0x0: {  	(tag) =	ssettag $0x1  }
0x1: {  	s2 =	rddreg [dreg:$0x0]  }
0x2: {  	s4 =	rddreg [dreg:$0x1]  }
0x3: {  	s0 =	rddreg [dreg:$0x2];
	s3 =	simm.s32 $0x0;
	s1 =	stileid.u32  }
0x4: {  	s6 =	srdreg.scid;
	s10 =	simm.s32 $0x80;
	s11 =	simm.s32 $0x200  }
0x5: {  	[smem:$0x7FF] =	sst s3;
	s5 =	sshrl.u32 s1, $0x3;
	s6 =	sand.u32 $0x1, s6  }
0x6: {  	s8 =	sshll.u32 s1, $0x5;
	_ =	strace $0x80000047;
	s7 =	sshll.u32 s5, $0x15  }
0x7: {  	s31 =	ssub.s32 $0x2, s6;
	s6 =	sshll.u32 s6, $0x4;
	s8 =	sand.u32 $0xE0, s8  }
0x8: {  	s5 =	smul.u32 $0x18000, s5;
	s7 =	sadd.s32 s7, s4;
	s9 =	sshrl.u32 s31, $0x1  }
0x9: {  	s4 =	sor.u32 s6, s8;
	s8 =	simm.s32 $0x1;
	s9 =	ssub.s32 s31, s9  }
0xa: {  	v0 =	vimm.f32 $0.0e+00;
	v1 =	vlaneseq.u32;
	v2 =	vimm.f32 $1.000000000e+00;
	s6 =	sadd.s32 $0xC00, s7;
	s7 =	smax.u32 s9, $0x1;
	s9 =	simm.s32 $0x6000  }
.LBB2_1:
0xb: {  	s12 =	simm.s32 $0x0  }
.LBB2_2:
0xc: {  	s13 =	sand.u32 $0x3, s12  }
0xd: {  	s14 =	smul.u32 $0x6000, s13;
	_ =	sdelay $0x1  }
0xe: {  	s14 =	sadd.s32 s5, s14  }
0xf: {  	s14 =	sshrl.u32 s14, $0x3  }
0x10: {  	s15 =	simm.s32 $0x0;
	s14 =	sadd.s32 s2, s14  }
0x11: {  	[tilespmem:s15], [sflag:$0x1] =	stream.linear.gather [hbm4b:s14+s15], $0x6000, $0x38;
	[tilespmem:$0x16000] =	vst v63  }
0x12: {  	_ =	swait.ge [sflag:s8], $0x6000  }
0x13: {  	[sflag:s8] =	ssyncset.done $0x0  }
0x14: {  	s14 =	simm.s32 $0x0;
	s15 =	simm.s32 $0x400;
	[sflag:s8] =	ssyncadd.s32 $0xFFFFA000  }
.LBB2_3:
0x15: {  	p0 =	seq.s32 s15, $0x3FC00;
	[tilespmem:s14+$0x60F0] =	vst v0  }
0x16: {  	[tilespmem:s14+$0x6000] =	vst v0  }
0x17: {  	[tilespmem:s14+$0x6010] =	vst v0  }
0x18: {  	[tilespmem:s14+$0x6020] =	vst v0  }
0x19: {  	[tilespmem:s14+$0x6030] =	vst v0  }
0x1a: {  	[tilespmem:s14+$0x6040] =	vst v0  }
0x1b: {  	[tilespmem:s14+$0x6050] =	vst v0  }
0x1c: {  	[tilespmem:s14+$0x6060] =	vst v0  }
0x1d: {  	[tilespmem:s14+$0x6070] =	vst v0  }
0x1e: {  	[tilespmem:s14+$0x6080] =	vst v0  }
0x1f: {  	[tilespmem:s14+$0x6090] =	vst v0  }
.Ltmp0:
0x20: {  	[tilespmem:s14+$0x60A0] =	vst v0;
	(pc) =	sbr.rel @!p0 .LBB2_3-.Ltmp0, $4  }
0x21: {  	[tilespmem:s14+$0x60B0] =	vst v0  }
0x22: {  	[tilespmem:s14+$0x60C0] =	vst v0  }
0x23: {  	[tilespmem:s14+$0x60D0] =	vst v0  }
0x24: {  	[tilespmem:s14+$0x60E0] =	vst v0;
	s14 =	sshra.s32 s15, $0x2;
	s15 =	sadd.s32 $0x400, s15  }
0x25: {  	[tilespmem:s14+$0x60F0] =	vst v0  }
0x26: {  	[tilespmem:s14+$0x6000] =	vst v0  }
0x27: {  	[tilespmem:s14+$0x6010] =	vst v0  }
0x28: {  	[tilespmem:s14+$0x6020] =	vst v0  }
0x29: {  	[tilespmem:s14+$0x6030] =	vst v0  }
0x2a: {  	[tilespmem:s14+$0x6040] =	vst v0  }
0x2b: {  	[tilespmem:s14+$0x6050] =	vst v0  }
0x2c: {  	[tilespmem:s14+$0x6060] =	vst v0  }
0x2d: {  	[tilespmem:s14+$0x6070] =	vst v0  }
0x2e: {  	[tilespmem:s14+$0x6080] =	vst v0  }
0x2f: {  	[tilespmem:s14+$0x6090] =	vst v0  }
0x30: {  	[tilespmem:s14+$0x60A0] =	vst v0  }
0x31: {  	[tilespmem:s14+$0x60B0] =	vst v0  }
0x32: {  	[tilespmem:s14+$0x60C0] =	vst v0  }
0x33: {  	[tilespmem:s14+$0x60D0] =	vst v0;
	s31 =	sadd.s32 s4, s12  }
0x34: {  	[tilespmem:s14+$0x60E0] =	vst v0;
	s14 =	sshrl.u32 s31, $0x2  }
0x35: {  	s15 =	scvt.s32.f32 s14;
	_ =	sdelay $0x1  }
0x36: {  	s16 =	simm.s32 $0x0;
	v3 =	vmov s15;
	s15 =	simm.s32 $0x0  }
.LBB2_5:
0x37: {  	s17 =	sand.u32 $0x70, s16;
	s18 =	sand.u32 $0x1C00, s15  }
0x38: {  	s17 =	sor.u32 s17, s18  }
0x39: {  	v4 =	vld [tilespmem:s17+$0x2000];
	_ =	sdelay $0x3  }
0x3a: {  	v5 =	vld [tilespmem:s17+$0x0]  }
0x3b: {  	(erf) = vrcp.f32 v4  }
0x3c: {  	v4 =	vld [tilespmem:s17+$0x4000];
	_ =	sdelay $0x2  }
0x3d: {  	v5 =	vmul.f32 v5, v3;
	_ =	sdelay $0x1  }
0x3e: {  	v4 =	vadd.f32 v4, v5;
	_ =	sdelay $0x1  }
0x3f: {  	v4 =	vsub.f32 $0.0e+00, v4  }
0x40: {  	v5 =	vpop (erf)  }
0x41: {  	v4 =	vmul.f32 v4, v5;
	_ =	sdelay $0x1  }
0x42: {  	v5 =	vtrunc.f32 v4  }
0x43: {  	v5 =	vcvt.f32.s32 v5  }
0x44: {  	vm0 =	vge.f32 v4, $1.000000000e+00;
	vm1 =	vlt.f32 v4, $6.300000000e+01  }
0x45: {  	vm0 =	vmand vm0, vm1;
	v5 =	vshll.u32 v5, $0xA  }
0x46: {  	v4 =	vor.u32 s16, v1;
	v5 =	vnsel vm0, $0x400, v5  }
0x47: {  	v5 =	vor.u32 v4, v5;
	_ =	sdelay $0x4  }
0x48: {  	[tilespmem:v5+s9+$0x0] =	vst.idx.add.f32.msk vm0, v2  }
0x49: {  	v5 =	vld [tilespmem:s17+$0x2080];
	_ =	sdelay $0x3  }
0x4a: {  	v6 =	vld [tilespmem:s17+$0x80]  }
0x4b: {  	(erf) = vrcp.f32 v5  }
0x4c: {  	v5 =	vld [tilespmem:s17+$0x4080];
	_ =	sdelay $0x2  }
0x4d: {  	v6 =	vmul.f32 v6, v3;
	_ =	sdelay $0x1  }
0x4e: {  	v5 =	vadd.f32 v5, v6;
	_ =	sdelay $0x1  }
0x4f: {  	v5 =	vsub.f32 $0.0e+00, v5  }
0x50: {  	v51 =	vpop (erf)  }
0x51: {  	v5 =	vmul.f32 v5, v51;
	_ =	sdelay $0x1  }
0x52: {  	v6 =	vtrunc.f32 v5  }
0x53: {  	v6 =	vcvt.f32.s32 v6  }
0x54: {  	vm14 =	vge.f32 v5, $1.000000000e+00;
	vm15 =	vlt.f32 v5, $6.300000000e+01  }
0x55: {  	vm0 =	vmand vm14, vm15;
	v5 =	vshll.u32 v6, $0xA  }
0x56: {  	v5 =	vnsel vm0, $0x400, v5  }
0x57: {  	v5 =	vor.u32 v4, v5;
	_ =	sdelay $0x4  }
0x58: {  	[tilespmem:v5+s9+$0x0] =	vst.idx.add.f32.msk vm0, v2  }
0x59: {  	v5 =	vld [tilespmem:s17+$0x2100];
	_ =	sdelay $0x3  }
0x5a: {  	v52 =	vld [tilespmem:s17+$0x100]  }
0x5b: {  	(erf) = vrcp.f32 v5  }
0x5c: {  	v5 =	vld [tilespmem:s17+$0x4100];
	_ =	sdelay $0x2  }
0x5d: {  	v6 =	vmul.f32 v52, v3;
	_ =	sdelay $0x1  }
0x5e: {  	v5 =	vadd.f32 v5, v6;
	_ =	sdelay $0x1  }
0x5f: {  	v5 =	vsub.f32 $0.0e+00, v5  }
0x60: {  	v53 =	vpop (erf)  }
0x61: {  	v5 =	vmul.f32 v5, v53;
	_ =	sdelay $0x1  }
0x62: {  	v6 =	vtrunc.f32 v5  }
0x63: {  	v6 =	vcvt.f32.s32 v6  }
0x64: {  	vm4 =	vge.f32 v5, $1.000000000e+00;
	vm5 =	vlt.f32 v5, $6.300000000e+01  }
0x65: {  	vm0 =	vmand vm4, vm5;
	v5 =	vshll.u32 v6, $0xA  }
0x66: {  	v5 =	vnsel vm0, $0x400, v5  }
0x67: {  	v5 =	vor.u32 v4, v5;
	_ =	sdelay $0x4  }
0x68: {  	[tilespmem:v5+s9+$0x0] =	vst.idx.add.f32.msk vm0, v2  }
0x69: {  	v5 =	vld [tilespmem:s17+$0x2180];
	_ =	sdelay $0x3  }
0x6a: {  	v54 =	vld [tilespmem:s17+$0x180]  }
0x6b: {  	(erf) = vrcp.f32 v5  }
0x6c: {  	v5 =	vld [tilespmem:s17+$0x4180];
	_ =	sdelay $0x2  }
0x6d: {  	v6 =	vmul.f32 v54, v3;
	_ =	sdelay $0x1  }
0x6e: {  	v5 =	vadd.f32 v5, v6;
	_ =	sdelay $0x1  }
0x6f: {  	v5 =	vsub.f32 $0.0e+00, v5  }
0x70: {  	v55 =	vpop (erf)  }
0x71: {  	v5 =	vmul.f32 v5, v55;
	_ =	sdelay $0x1  }
0x72: {  	v6 =	vtrunc.f32 v5  }
0x73: {  	v6 =	vcvt.f32.s32 v6  }
0x74: {  	vm6 =	vge.f32 v5, $1.000000000e+00;
	vm7 =	vlt.f32 v5, $6.300000000e+01  }
0x75: {  	vm0 =	vmand vm6, vm7;
	v5 =	vshll.u32 v6, $0xA  }
0x76: {  	v5 =	vnsel vm0, $0x400, v5  }
0x77: {  	v5 =	vor.u32 v4, v5;
	_ =	sdelay $0x4  }
0x78: {  	[tilespmem:v5+s9+$0x0] =	vst.idx.add.f32.msk vm0, v2  }
0x79: {  	v5 =	vld [tilespmem:s17+$0x2200];
	_ =	sdelay $0x3  }
0x7a: {  	v56 =	vld [tilespmem:s17+$0x200]  }
0x7b: {  	(erf) = vrcp.f32 v5  }
0x7c: {  	v5 =	vld [tilespmem:s17+$0x4200];
	_ =	sdelay $0x2  }
0x7d: {  	v6 =	vmul.f32 v56, v3;
	_ =	sdelay $0x1  }
0x7e: {  	v5 =	vadd.f32 v5, v6;
	_ =	sdelay $0x1  }
0x7f: {  	v5 =	vsub.f32 $0.0e+00, v5  }
0x80: {  	v57 =	vpop (erf)  }
0x81: {  	v5 =	vmul.f32 v5, v57;
	_ =	sdelay $0x1  }
0x82: {  	v6 =	vtrunc.f32 v5  }
0x83: {  	v6 =	vcvt.f32.s32 v6  }
0x84: {  	vm8 =	vge.f32 v5, $1.000000000e+00;
	vm9 =	vlt.f32 v5, $6.300000000e+01  }
0x85: {  	vm0 =	vmand vm8, vm9;
	v5 =	vshll.u32 v6, $0xA  }
0x86: {  	v5 =	vnsel vm0, $0x400, v5  }
0x87: {  	v5 =	vor.u32 v4, v5;
	_ =	sdelay $0x4  }
0x88: {  	[tilespmem:v5+s9+$0x0] =	vst.idx.add.f32.msk vm0, v2  }
0x89: {  	v5 =	vld [tilespmem:s17+$0x2280];
	_ =	sdelay $0x3  }
0x8a: {  	v58 =	vld [tilespmem:s17+$0x280]  }
0x8b: {  	(erf) = vrcp.f32 v5  }
0x8c: {  	v5 =	vld [tilespmem:s17+$0x4280];
	_ =	sdelay $0x2  }
0x8d: {  	v6 =	vmul.f32 v58, v3;
	_ =	sdelay $0x1  }
0x8e: {  	v5 =	vadd.f32 v5, v6;
	_ =	sdelay $0x1  }
0x8f: {  	v5 =	vsub.f32 $0.0e+00, v5  }
0x90: {  	v59 =	vpop (erf)  }
0x91: {  	v5 =	vmul.f32 v5, v59;
	_ =	sdelay $0x1  }
0x92: {  	v6 =	vtrunc.f32 v5  }
0x93: {  	v6 =	vcvt.f32.s32 v6  }
0x94: {  	vm10 =	vge.f32 v5, $1.000000000e+00;
	vm11 =	vlt.f32 v5, $6.300000000e+01  }
0x95: {  	vm0 =	vmand vm10, vm11;
	v5 =	vshll.u32 v6, $0xA  }
0x96: {  	v5 =	vnsel vm0, $0x400, v5  }
0x97: {  	v5 =	vor.u32 v4, v5;
	_ =	sdelay $0x4  }
0x98: {  	[tilespmem:v5+s9+$0x0] =	vst.idx.add.f32.msk vm0, v2  }
0x99: {  	v5 =	vld [tilespmem:s17+$0x2300];
	_ =	sdelay $0x3  }
0x9a: {  	v60 =	vld [tilespmem:s17+$0x300]  }
0x9b: {  	(erf) = vrcp.f32 v5  }
0x9c: {  	v5 =	vld [tilespmem:s17+$0x4300];
	_ =	sdelay $0x2  }
0x9d: {  	v6 =	vmul.f32 v60, v3;
	_ =	sdelay $0x1  }
0x9e: {  	v5 =	vadd.f32 v5, v6;
	_ =	sdelay $0x1  }
0x9f: {  	v5 =	vsub.f32 $0.0e+00, v5  }
0xa0: {  	v61 =	vpop (erf)  }
0xa1: {  	v5 =	vmul.f32 v5, v61;
	_ =	sdelay $0x1  }
0xa2: {  	v6 =	vtrunc.f32 v5  }
0xa3: {  	v6 =	vcvt.f32.s32 v6  }
0xa4: {  	vm12 =	vge.f32 v5, $1.000000000e+00;
	vm13 =	vlt.f32 v5, $6.300000000e+01  }
0xa5: {  	vm0 =	vmand vm12, vm13;
	v5 =	vshll.u32 v6, $0xA  }
0xa6: {  	v5 =	vnsel vm0, $0x400, v5  }
0xa7: {  	v5 =	vor.u32 v4, v5;
	_ =	sdelay $0x4  }
0xa8: {  	[tilespmem:v5+s9+$0x0] =	vst.idx.add.f32.msk vm0, v2  }
0xa9: {  	v5 =	vld [tilespmem:s17+$0x2380];
	_ =	sdelay $0x1  }
0xaa: {  	s31 =	sor.u32 s15, s16  }
0xab: {  	s18 =	sor.u32 $0x380, s31  }
0xac: {  	v62 =	vld [tilespmem:s18+$0x0]  }
0xad: {  	(erf) = vrcp.f32 v5  }
0xae: {  	v5 =	vld [tilespmem:s17+$0x4380];
	_ =	sdelay $0x2  }
0xaf: {  	v6 =	vmul.f32 v62, v3;
	_ =	sdelay $0x1  }
0xb0: {  	v5 =	vadd.f32 v5, v6;
	_ =	sdelay $0x1  }
0xb1: {  	v5 =	vsub.f32 $0.0e+00, v5  }
0xb2: {  	v63 =	vpop (erf)  }
0xb3: {  	v5 =	vmul.f32 v5, v63;
	_ =	sdelay $0x1  }
0xb4: {  	v6 =	vtrunc.f32 v5  }
0xb5: {  	v6 =	vcvt.f32.s32 v6  }
0xb6: {  	vm14 =	vge.f32 v5, $1.000000000e+00;
	vm15 =	vlt.f32 v5, $6.300000000e+01  }
0xb7: {  	vm0 =	vmand vm14, vm15;
	v5 =	vshll.u32 v6, $0xA  }
0xb8: {  	v5 =	vnsel vm0, $0x400, v5  }
0xb9: {  	p0 =	sne.s32 s16, $0x3F0;
	v4 =	vor.u32 v4, v5  }
.Ltmp1:
0xba: {  	_ = 	snop;
	(pc) =	sbr.rel @p0 .LBB2_5-.Ltmp1, $2  }
0xbb: {  	_ =	sdelay $0x2  }
0xbc: {  	s15 =	sadd.s32 $0x80, s15;
	s16 =	sadd.s32 $0x10, s16;
	[tilespmem:v4+s9+$0x0] =	vst.idx.add.f32.msk vm0, v2  }
0xbd: {  	s13 =	sshll.u32 s13, $0x4;
	s12 =	sadd.s32 $0x1, s12  }
0xbe: {  	s14 =	sshll.u32 s14, $0xF;
	s13 =	sadd.s32 s13, s6;
	p0 =	sne.s32 s12, $0x10  }
.Ltmp2:
0xbf: {  	s13 =	sadd.s32 s14, s13;
	(pc) =	sbr.rel @p0 .LBB2_2-.Ltmp2, $4  }
0xc0: {  	[hbm4b:s13+s10] =	stream.strided.scatter [tilespmem:s9], [sflag:$0x1], $0x10000, s11, s10, $0x38;
	[tilespmem:$0x16000] =	vst v63  }
0xc1: {  	_ =	swait.ge [sflag:s8], $0x10000  }
0xc2: {  	[sflag:s8] =	ssyncset.done $0x0  }
0xc3: {  	[sflag:s8] =	ssyncadd.s32 $0xFFFF0000  }
0xc4: {  	s3 =	sadd.s32 $0x1, s3  }
0xc5: {  	p0 =	sne.s32 s3, s7  }
.Ltmp3:
0xc6: {  	_ = 	snop;
	(pc) =	sbr.rel @p0 .LBB2_1-.Ltmp3, $1  }
0xc7: {  	_ =	sdelay $0x3  }
0xc8: {  	_ =	sfence.sel $0x180000  }
0xc9: {  	[bflag:$0x0] =	sbarrier.arrive $0xFFFF  }
0xca: {  	p0 =	sne.s32 s1, $0x0;
	_ =	strace $0x90000047  }
0xcb: {  	s0 =	sadd.s32 @!p0 $0x100000, s0;
	[bflag:$0x2] =	sbarrier.arrive $0xFFFF  }
0xcc: {  	[sflag:s0] =	ssyncadd.tile.s32 @!p0 $0x1;
	_ =	shalt  }
.Lfunc_end2:
_tile_overlayer_lowered:
.L_overlay_start_2:
0xcd: {  	(tag) =	ssettag $0x2  }
0xce: {  	s0 =	rddreg [dreg:$0x0];
	s2 =	stileid.u32  }
0xcf: {  	s1 =	rddreg [dreg:$0x1];
	p0 =	sne.s32 s2, $0x0  }
0xd0: {  	s3 =	rddreg [dreg:$0x2];
	[bflag:$0x3] =	sbarrier.arrive $0xFFFF;
	s2 =	simm.s32 @!p0 $0x1C01  }
0xd1: {  	[timem:s3], [sflag:s2] =	dma.local @!p0 [hbm:s0], s1  }
0xd2: {  	s0 =	simm.s32 @!p0 $0x1  }
0xd3: {  	_ =	swait.ge @!p0 [sflag:s0], s1  }
0xd4: {  	s1 =	ssub.s32 @!p0 $0x0, s1;
	[sflag:s0] =	ssyncset.done @!p0 $0x0  }
0xd5: {  	[sflag:s0] =	ssyncadd.s32 @!p0 s1  }
0xd6: {  	[bflag:$0x3] =	sbarrier.arrive $0xFFFF  }
0xd7: {  	_ =	shalt  }

</sc_bundles>
